<compile_context>
chip_gen: v7x
topology: tpu7x:2x2x1
jax: 0.10.2.dev20260603
libtpu: 0.0.44.dev20260713+nightly
codegen_flags: <defaults>
</compile_context>

<pallas_src>
import functools

import jax
import jax.numpy as jnp
from jax import lax
from jax.experimental import pallas as pl
from jax.experimental.pallas import tpu as pltpu
from jax.experimental.pallas import tpu_sc as plsc

B, N, D = 2, 4096, 768
H = 12
HD = D // H
TOPK_ = max(1, int((N - 1) * 0.1))
SP = 512
SCALE = HD ** -0.5
NC, NS = 2, 16
SLOTS_PER_SUB = SP // NS


def _make_select_gather():
    mesh = plsc.VectorSubcoreMesh(core_axis_name="c", subcore_axis_name="s")

    @functools.partial(
        pl.kernel,
        out_type=(
            jax.ShapeDtypeStruct((B * SP,), jnp.int32),
            jax.ShapeDtypeStruct((B * SP, D), jnp.float32),
        ),
        mesh=mesh,
        compiler_params=pltpu.CompilerParams(needs_layout_passes=False),
        scratch_types=[
            pltpu.VMEM((N,), jnp.float32),
            pltpu.VMEM((512,), jnp.int32),
            pltpu.VMEM((N + 16,), jnp.int32),
            pltpu.VMEM((SP,), jnp.int32),
            pltpu.VMEM((SLOTS_PER_SUB,), jnp.int32),
            pltpu.VMEM((SLOTS_PER_SUB, D), jnp.float32),
            pltpu.VMEM_SHARED((SP,), jnp.int32),
            pltpu.SemaphoreType.DMA,
        ],
    )
    def select_gather(acc_hbm, x_hbm, idx_hbm, xg_hbm,
                      vals, gtbuf, eqbuf, idxbuf, idx_v, rows_v,
                      sp_idx, sem):
        c = lax.axis_index("c")
        s = lax.axis_index("s")

        @pl.when(s == 0)
        def _phase1():
            pltpu.sync_copy(acc_hbm.at[c, 0], vals)
            v0 = vals[pl.ds(0, 16)]
            vals[pl.ds(0, 16)] = jnp.where(
                lax.iota(jnp.int32, 16) == 0, jnp.float32(-1.0), v0)

            def popcnt_scalar(mask):
                return plsc.all_reduce_population_count(mask)[0]

            def count_ge(thr_vec):
                def inner(i, cs):
                    b = i * 64
                    return tuple(
                        cs[t] + plsc.all_reduce_population_count(
                            vals[pl.ds(b + t * 16, 16)] >= thr_vec)
                        for t in range(4))
                z = jnp.zeros((16,), jnp.int32)
                c0, c1, c2, c3 = lax.fori_loop(0, N // 64, inner,
                                               (z, z, z, z))
                return (c0 + c1) + (c2 + c3)

            def bs(_, lohi):
                lo, hi = lohi
                mid = (lo + hi) * jnp.float32(0.5)
                big = count_ge(mid) >= TOPK_
                return (jnp.where(big, mid, lo), jnp.where(big, hi, mid))

            lo, _ = lax.fori_loop(
                0, 28, bs,
                (jnp.zeros((16,), jnp.float32), jnp.ones((16,), jnp.float32)))

            def minpass(i, mv):
                v = vals[pl.ds(i * 16, 16)]
                return jnp.minimum(
                    mv, jnp.where(v >= lo, v, jnp.float32(2.0)))

            minv = lax.fori_loop(0, N // 16, minpass,
                                 jnp.full((16,), 2.0, jnp.float32))
            sk, _ = plsc.sort_key_val(minv, minv)
            thr_vec = jnp.full((16,), sk[0], jnp.float32)

            def comp(i, offs):
                og, oe = offs
                v = vals[pl.ds(i * 16, 16)]
                idxs = lax.iota(jnp.int32, 16) + i * 16 + c * N
                mgt = v > thr_vec
                meq = v == thr_vec
                plsc.store_compressed(gtbuf.at[pl.ds(og, 16)], idxs, mask=mgt)
                plsc.store_compressed(eqbuf.at[pl.ds(oe, 16)], idxs, mask=meq)
                return (og + popcnt_scalar(mgt), oe + popcnt_scalar(meq))

            c_gt, _ = lax.fori_loop(0, N // 16, comp,
                                    (jnp.int32(0), jnp.int32(0)))

            base = jnp.full((16,), c * N, jnp.int32)

            def initbuf(j, carry):
                idxbuf[pl.ds(j * 16, 16)] = base
                return carry

            lax.fori_loop(0, SP // 16, initbuf, 0)

            def copy_gt(j, carry):
                rem = jnp.minimum(c_gt, TOPK_) - j * 16
                m = lax.iota(jnp.int32, 16) < rem
                v = gtbuf[pl.ds(j * 16, 16)]
                plsc.store_compressed(idxbuf.at[pl.ds(1 + j * 16, 16)], v, mask=m)
                return carry

            lax.fori_loop(0, (TOPK_ + 15) // 16, copy_gt, 0)
            need_eq = TOPK_ - c_gt

            def copy_eq(j, carry):
                rem = need_eq - j * 16
                m = lax.iota(jnp.int32, 16) < rem
                off = jnp.minimum(1 + c_gt + j * 16, SP - 16)
                v = eqbuf[pl.ds(j * 16, 16)]
                plsc.store_compressed(idxbuf.at[pl.ds(off, 16)], v, mask=m)
                return carry

            lax.fori_loop(0, (TOPK_ + 15) // 16, copy_eq, 0)

            pltpu.sync_copy(idxbuf, sp_idx)
            pltpu.sync_copy(idxbuf, idx_hbm.at[pl.ds(c * SP, SP)])

        plsc.subcore_barrier()
        pltpu.sync_copy(sp_idx.at[pl.ds(s * SLOTS_PER_SUB, SLOTS_PER_SUB)],
                        idx_v)
        pltpu.async_copy(x_hbm.at[idx_v], rows_v, sem).wait()
        pltpu.sync_copy(
            rows_v,
            xg_hbm.at[pl.ds(c * SP + s * SLOTS_PER_SUB, SLOTS_PER_SUB)])

    return select_gather


HPG = 6
KVB = 2048


def _kv_body(x_ref, wk_ref, wv_ref, k_ref, v_ref):
    bf = jnp.bfloat16
    xb = x_ref[...].astype(bf)
    dn = (((1,), (1,)), ((), ()))
    k_ref[...] = lax.dot_general(
        xb, wk_ref[...].astype(bf), dn,
        preferred_element_type=jnp.float32).astype(bf)
    v_ref[...] = lax.dot_general(
        xb, wv_ref[...].astype(bf), dn,
        preferred_element_type=jnp.float32).astype(bf)


def _kv_proj(xf, Wk, Wv):
    return pl.pallas_call(
        _kv_body,
        grid=(B * N // KVB,),
        in_specs=[
            pl.BlockSpec((KVB, D), lambda i: (i, 0)),
            pl.BlockSpec((D, D), lambda i: (0, 0)),
            pl.BlockSpec((D, D), lambda i: (0, 0)),
        ],
        out_specs=[
            pl.BlockSpec((KVB, D), lambda i: (i, 0)),
            pl.BlockSpec((KVB, D), lambda i: (i, 0)),
        ],
        out_shape=[
            jax.ShapeDtypeStruct((B * N, D), jnp.bfloat16),
            jax.ShapeDtypeStruct((B * N, D), jnp.bfloat16),
        ],
    )(xf, Wk, Wv)


def _attn_body(k_ref, v_ref, wq_ref, xg_ref, o_ref):
    bf = jnp.bfloat16
    xg = xg_ref[0].astype(bf)
    dn = (((1,), (1,)), ((), ()))
    q2 = (lax.dot_general(xg, wq_ref[...].astype(bf), dn,
                          preferred_element_type=jnp.float32)
          * SCALE).astype(bf)
    outs = []
    for t in range(HPG):
        kh = k_ref[0][:, t * HD:(t + 1) * HD]
        vh = v_ref[0][:, t * HD:(t + 1) * HD]
        qh = q2[:, t * HD:(t + 1) * HD]
        sij = lax.dot_general(qh, kh, dn, preferred_element_type=jnp.float32)
        p = jnp.exp(sij)
        l = jnp.sum(p, axis=1, keepdims=True)
        oh = lax.dot_general(p.astype(bf), vh, (((1,), (0,)), ((), ())),
                             preferred_element_type=jnp.float32)
        outs.append(oh / l)
    o_ref[0] = jnp.concatenate(outs, axis=1).astype(bf)


def _attention(k3, v3, Wq, xg):
    return pl.pallas_call(
        _attn_body,
        grid=(B, H // HPG),
        in_specs=[
            pl.BlockSpec((1, N, HPG * HD), lambda b, g: (b, 0, g)),
            pl.BlockSpec((1, N, HPG * HD), lambda b, g: (b, 0, g)),
            pl.BlockSpec((HPG * HD, D), lambda b, g: (g, 0)),
            pl.BlockSpec((1, SP, D), lambda b, g: (b, 0, 0)),
        ],
        out_specs=pl.BlockSpec((1, SP, HPG * HD), lambda b, g: (b, 0, g)),
        out_shape=jax.ShapeDtypeStruct((B, SP, D), jnp.bfloat16),
    )(k3, v3, Wq, xg)


RB = 1024
BPB = N // RB


def _proj_body(x_ref, idx_ref, lo_ref, xg_ref, wo_ref, bo_ref, o_ref):
    i = pl.program_id(0)
    c = i // BPB
    bf = jnp.bfloat16
    idxv = idx_ref[0, 0]
    slot = lax.broadcasted_iota(jnp.int32, (1, SP), 1)
    valid = jnp.logical_or(slot == 0, idxv[None, :] != c * N)
    gid = lax.broadcasted_iota(jnp.int32, (RB, 1), 0) + i * RB
    S = jnp.where(jnp.logical_and(gid == idxv[None, :], valid),
                  jnp.float32(1.0), jnp.float32(0.0)).astype(bf)
    diff = lo_ref[0] - xg_ref[0].astype(bf)
    xp = x_ref[...] + lax.dot_general(
        S, diff, (((1,), (0,)), ((), ())),
        preferred_element_type=jnp.float32)
    o_ref[...] = lax.dot_general(
        xp.astype(bf), wo_ref[...].astype(bf), (((1,), (1,)), ((), ())),
        preferred_element_type=jnp.float32) + bo_ref[...]


def _out_proj(xf, idx3, lo3, xg3, Wo, bo2):
    return pl.pallas_call(
        _proj_body,
        grid=(B * N // RB,),
        in_specs=[
            pl.BlockSpec((RB, D), lambda i: (i, 0)),
            pl.BlockSpec((1, 1, SP), lambda i: (i // BPB, 0, 0)),
            pl.BlockSpec((1, SP, D), lambda i: (i // BPB, 0, 0)),
            pl.BlockSpec((1, SP, D), lambda i: (i // BPB, 0, 0)),
            pl.BlockSpec((D, D), lambda i: (0, 0)),
            pl.BlockSpec((1, D), lambda i: (0, 0)),
        ],
        out_specs=pl.BlockSpec((RB, D), lambda i: (i, 0)),
        out_shape=jax.ShapeDtypeStruct((B * N, D), jnp.float32),
    )(xf, idx3, lo3, xg3, Wo, bo2)


def kernel(x, accumulated_attention, Wq, Wk, Wv, Wo, bo):
    xf = x.reshape(B * N, D)
    idx_g, xg = _make_select_gather()(accumulated_attention, xf)
    kf, vf = _kv_proj(xf, Wk, Wv)
    xg3 = xg.reshape(B, SP, D)
    local_out = _attention(kf.reshape(B, N, D), vf.reshape(B, N, D), Wq, xg3)
    out = _out_proj(xf, idx_g.reshape(B, 1, SP), local_out, xg3,
                    Wo, bo.reshape(1, D))
    return out.reshape(B, N, D)

# --- scband reference (transcript-rebuilt; emitter-appended) ---
"""Pipeline reference for scband-global-local-cross-attention-90391881712433 (READ-ONLY COPY).

The authoritative reference and input builder live on the scoring server;
editing this copy changes nothing except your own understanding.
"""

import jax, jax.numpy as jnp
import numpy as np

B, N, D = 2, 4096, 768
H = 12
HD = D // H
TOP_K_RATIO = 0.1
TOPK = max(1, int((N - 1) * TOP_K_RATIO))
SCALE = HD ** -0.5


def setup_inputs(seed: int = 0) -> dict:
    key = jax.random.key(seed)
    ks = jax.random.split(key, 8)
    x = jax.random.normal(ks[0], (B, N, D), dtype=jnp.float32)
    accumulated_attention = jax.random.uniform(ks[1], (B, N, N), dtype=jnp.float32)
    s = 1.0 / np.sqrt(D)
    Wq = jax.random.normal(ks[2], (D, D), dtype=jnp.float32) * s
    Wk = jax.random.normal(ks[3], (D, D), dtype=jnp.float32) * s
    Wv = jax.random.normal(ks[4], (D, D), dtype=jnp.float32) * s
    Wo = jax.random.normal(ks[5], (D, D), dtype=jnp.float32) * s
    bo = jnp.zeros((D,), dtype=jnp.float32)
    return {"x": x, "accumulated_attention": accumulated_attention,
            "Wq": Wq, "Wk": Wk, "Wv": Wv, "Wo": Wo, "bo": bo}


def reference(x, accumulated_attention, Wq, Wk, Wv, Wo, bo):
    B_, N_, D_ = x.shape
    # get_patch_attention_rollout: CLS-row attention to patch tokens
    cls_attention = accumulated_attention[:, 0, 1:]  # (B, N-1)
    q = (x @ Wq.T).reshape(B_, N_, H, HD).transpose(0, 2, 1, 3)  # (B,H,N,hd)
    k = (x @ Wk.T).reshape(B_, N_, H, HD).transpose(0, 2, 1, 3)
    v = (x @ Wv.T).reshape(B_, N_, H, HD).transpose(0, 2, 1, 3)
    # select top-k queries based on rollout
    _, top_indices = jax.lax.top_k(cls_attention, TOPK)  # (B, K)
    patch_indices = top_indices + 1
    cls_indices = jnp.zeros((B_, 1), dtype=patch_indices.dtype)
    selected_indices = jnp.concatenate([cls_indices, patch_indices], axis=1)  # (B, K+1)
    idx = selected_indices[:, None, :, None]  # (B,1,K+1,1) broadcast over heads/head_dim
    local_q = jnp.take_along_axis(q, idx, axis=2)  # (B,H,K+1,hd)
    attn = (local_q @ jnp.swapaxes(k, -2, -1)) * SCALE  # (B,H,K+1,N)
    attn = jax.nn.softmax(attn, axis=-1)
    local_out = attn @ v  # (B,H,K+1,hd)
    local_out = local_out.transpose(0, 2, 1, 3).reshape(B_, -1, D_)  # (B,K+1,D)
    batch_idx = jnp.arange(B_)[:, None]
    output = x.at[batch_idx, selected_indices].set(local_out)
    output = output @ Wo.T + bo
    return output

if __name__ == "__main__":
    import jax
    _d = setup_inputs()
    print(jax.jit(kernel)(*tuple(_d.values())))

</pallas_src>

<mosaic_0001>
#map = affine_map<(d0, d1) -> (0, 0, 0)>
#map1 = affine_map<(d0, d1) -> (0, 0)>
#map2 = affine_map<(d0, d1) -> (0)>
module attributes {stable_mosaic.version = 14 : i64} {
  func.func @select_gather(%arg0: i32, %arg1: i32, %arg2: memref<2x4096x4096xf32, #tpu.memory_space<hbm>>, %arg3: memref<8192x768xf32, #tpu.memory_space<hbm>>, %arg4: memref<1024xi32, #tpu.memory_space<hbm>>, %arg5: memref<1024x768xf32, #tpu.memory_space<hbm>>, %arg6: memref<4096xf32, #tpu.memory_space<vmem>>, %arg7: memref<512xi32, #tpu.memory_space<vmem>>, %arg8: memref<4112xi32, #tpu.memory_space<vmem>>, %arg9: memref<512xi32, #tpu.memory_space<vmem>>, %arg10: memref<32xi32, #tpu.memory_space<vmem>>, %arg11: memref<32x768xf32, #tpu.memory_space<vmem>>, %arg12: memref<512xi32, #tpu.memory_space<vmem_shared>>, %arg13: memref<!tpu.dma_semaphore, #tpu.memory_space<semaphore_mem>>) attributes {dimension_semantics = [#tpu.dimension_semantics<core_parallel>, #tpu.dimension_semantics<subcore_parallel>], iteration_bounds = array<i64: 2, 16>, scalar_prefetch = 0 : i64, scratch_operands = 8 : i64, tpu.core_type = #tpu.core_type<sc_vector_subcore>, window_params = [{transform_indices = #map}, {transform_indices = #map1}, {transform_indices = #map2}, {transform_indices = #map1}]} {
    %eq3A = arith.constant 0 : i32
    %eq3A_0 = arith.cmpi eq, %arg1, %eq3A : i32
    %convert_element_type3A = arith.extui %eq3A_0 : i1 to i32
    %cond3A = arith.constant 0 : i32
    %cond3A_1 = arith.cmpi ne, %convert_element_type3A, %cond3A : i32
    scf.if %cond3A_1 {
      %run_scoped3A = arith.constant 0 : i32
      "tpu.region"() ({
        %run_scoped3A_69 = tpu.sem_alloc : memref<!tpu.dma_semaphore, #tpu.memory_space<semaphore_mem>>
        %dma_start3A_70 = arith.constant 0 : i32
        %dma_start3A_71 = tpu.memref_slice %arg2[%arg0, %run_scoped3A, %dma_start3A_70] : memref<2x4096x4096xf32, #tpu.memory_space<hbm>> -> memref<1x1x4096xf32, #tpu.memory_space<hbm>>
        %dma_start3A_72 = tpu.memref_squeeze %dma_start3A_71 : memref<1x1x4096xf32, #tpu.memory_space<hbm>> -> memref<4096xf32, #tpu.memory_space<hbm>>
        %dma_start3A_73 = arith.constant 0 : i32
        %dma_start3A_74 = tpu.memref_slice %arg2[%arg0, %run_scoped3A, %dma_start3A_73] : memref<2x4096x4096xf32, #tpu.memory_space<hbm>> -> memref<1x1x4096xf32, #tpu.memory_space<hbm>>
        %dma_start3A_75 = tpu.memref_squeeze %dma_start3A_74 : memref<1x1x4096xf32, #tpu.memory_space<hbm>> -> memref<4096xf32, #tpu.memory_space<hbm>>
        tpu.enqueue_dma source(%dma_start3A_75 : memref<4096xf32, #tpu.memory_space<hbm>>) target(%arg6 : memref<4096xf32, #tpu.memory_space<vmem>>) target_semaphore(%run_scoped3A_69 : memref<!tpu.dma_semaphore, #tpu.memory_space<semaphore_mem>>)
        %dma_wait3A_76 = arith.constant 0 : i32
        %dma_wait3A_77 = tpu.memref_slice %arg2[%arg0, %run_scoped3A, %dma_wait3A_76] : memref<2x4096x4096xf32, #tpu.memory_space<hbm>> -> memref<1x1x4096xf32, #tpu.memory_space<hbm>>
        %dma_wait3A_78 = tpu.memref_squeeze %dma_wait3A_77 : memref<1x1x4096xf32, #tpu.memory_space<hbm>> -> memref<4096xf32, #tpu.memory_space<hbm>>
        %dma_wait3A_79 = arith.constant 0 : i32
        %dma_wait3A_80 = tpu.memref_slice %arg2[%arg0, %run_scoped3A, %dma_wait3A_79] : memref<2x4096x4096xf32, #tpu.memory_space<hbm>> -> memref<1x1x4096xf32, #tpu.memory_space<hbm>>
        %dma_wait3A_81 = tpu.memref_squeeze %dma_wait3A_80 : memref<1x1x4096xf32, #tpu.memory_space<hbm>> -> memref<4096xf32, #tpu.memory_space<hbm>>
        tpu.wait_dma2 semaphore(%run_scoped3A_69 : memref<!tpu.dma_semaphore, #tpu.memory_space<semaphore_mem>>) src(%dma_wait3A_81 : memref<4096xf32, #tpu.memory_space<hbm>>) dst(%arg6 : memref<4096xf32, #tpu.memory_space<vmem>>)
        tpu.yield
      }) : () -> ()
      %get3A = arith.constant 0 : index
      %get3A_11 = tpu.vector_load %arg6[%get3A] {strides = array<i32>} : memref<4096xf32, #tpu.memory_space<vmem>>, vector<16xf32>,
      %iota3A = tpu.iota {dimensions = array<i32: 0>} : vector<16xi32>
      %eq3A_12 = arith.constant 0 : i32
      %eq3A_13 = vector.broadcast %eq3A_12 : i32 to vector<16xi32>
      %eq3A_14 = arith.cmpi eq, %iota3A, %eq3A_13 : vector<16xi32>
      %jit3A = arith.constant -1.000000e+00 : f32
      %broadcast_in_dim3A = vector.broadcast %jit3A : f32 to vector<16xf32>
      %select_n3A = arith.select %eq3A_14, %broadcast_in_dim3A, %get3A_11 : vector<16xi1>, vector<16xf32>
      %swap3A = arith.constant 0 : index
      %swap3A_15 = tpu.vector_load %arg6[%swap3A] {strides = array<i32>} : memref<4096xf32, #tpu.memory_space<vmem>>, vector<16xf32>,
      tpu.vector_store %arg6[%swap3A], %select_n3A {strides = array<i32>} : memref<4096xf32, #tpu.memory_space<vmem>>, vector<16xf32>,
      %broadcast_in_dim3A_16 = arith.constant 0.000000e+00 : f32
      %broadcast_in_dim3A_17 = vector.broadcast %broadcast_in_dim3A_16 : f32 to vector<16xf32>
      %broadcast_in_dim3A_18 = arith.constant 1.000000e+00 : f32
      %broadcast_in_dim3A_19 = vector.broadcast %broadcast_in_dim3A_18 : f32 to vector<16xf32>
      %scan3A = arith.constant 0 : i32
      %scan3A_20 = arith.constant 28 : i32
      %scan3A_21 = arith.addi %scan3A, %scan3A_20 : i32
      %scan3A_22 = arith.constant 1 : i32
      %scan3A_23:2 = scf.for %scan3A_69 = %scan3A to %scan3A_21 step %scan3A_22 iter_args(%scan3A_70 = %broadcast_in_dim3A_17, %scan3A_71 = %broadcast_in_dim3A_19) -> (vector<16xf32>, vector<16xf32>)  : i32 {
        %add3A_72 = arith.addf %scan3A_70, %scan3A_71 : vector<16xf32>
        %mul3A_73 = arith.constant 5.000000e-01 : f32
        %mul3A_74 = vector.broadcast %mul3A_73 : f32 to vector<16xf32>
        %mul3A_75 = arith.mulf %add3A_72, %mul3A_74 : vector<16xf32>
        %broadcast_in_dim3A_76 = arith.constant 0 : i32
        %broadcast_in_dim3A_77 = vector.broadcast %broadcast_in_dim3A_76 : i32 to vector<16xi32>
        %scan3A_78 = arith.constant 0 : i32
        %scan3A_79 = arith.constant 64 : i32
        %scan3A_80 = arith.addi %scan3A_78, %scan3A_79 : i32
        %scan3A_81 = arith.constant 1 : i32
        %scan3A_82:4 = scf.for %scan3A_91 = %scan3A_78 to %scan3A_80 step %scan3A_81 iter_args(%scan3A_92 = %broadcast_in_dim3A_77, %scan3A_93 = %broadcast_in_dim3A_77, %scan3A_94 = %broadcast_in_dim3A_77, %scan3A_95 = %broadcast_in_dim3A_77) -> (vector<16xi32>, vector<16xi32>, vector<16xi32>, vector<16xi32>)  : i32 {
          %mul3A_96 = arith.constant 64 : i32
          %mul3A_97 = arith.muli %scan3A_91, %mul3A_96 : i32
          %add3A_98 = arith.constant 0 : i32
          %add3A_99 = arith.addi %mul3A_97, %add3A_98 : i32
          %get3A_100 = arith.index_cast %add3A_99 : i32 to index
          %get3A_101 = tpu.vector_load %arg6[%get3A_100] {strides = array<i32>} : memref<4096xf32, #tpu.memory_space<vmem>>, vector<16xf32>,
          %ge3A_102 = arith.cmpf oge, %get3A_101, %mul3A_75 : vector<16xf32>
          %all_reduce_population_count3A = tpu.all_reduce %ge3A_102 {dim = 0 : i64, kind = #tpu.reduction_kind<sum>} : vector<16xi1> -> vector<16xi32>
          %add3A_103 = arith.addi %scan3A_92, %all_reduce_population_count3A : vector<16xi32>
          %add3A_104 = arith.constant 16 : i32
          %add3A_105 = arith.addi %mul3A_97, %add3A_104 : i32
          %get3A_106 = arith.index_cast %add3A_105 : i32 to index
          %get3A_107 = tpu.vector_load %arg6[%get3A_106] {strides = array<i32>} : memref<4096xf32, #tpu.memory_space<vmem>>, vector<16xf32>,
          %ge3A_108 = arith.cmpf oge, %get3A_107, %mul3A_75 : vector<16xf32>
          %all_reduce_population_count3A_109 = tpu.all_reduce %ge3A_108 {dim = 0 : i64, kind = #tpu.reduction_kind<sum>} : vector<16xi1> -> vector<16xi32>
          %add3A_110 = arith.addi %scan3A_93, %all_reduce_population_count3A_109 : vector<16xi32>
          %add3A_111 = arith.constant 32 : i32
          %add3A_112 = arith.addi %mul3A_97, %add3A_111 : i32
          %get3A_113 = arith.index_cast %add3A_112 : i32 to index
          %get3A_114 = tpu.vector_load %arg6[%get3A_113] {strides = array<i32>} : memref<4096xf32, #tpu.memory_space<vmem>>, vector<16xf32>,
          %ge3A_115 = arith.cmpf oge, %get3A_114, %mul3A_75 : vector<16xf32>
          %all_reduce_population_count3A_116 = tpu.all_reduce %ge3A_115 {dim = 0 : i64, kind = #tpu.reduction_kind<sum>} : vector<16xi1> -> vector<16xi32>
          %add3A_117 = arith.addi %scan3A_94, %all_reduce_population_count3A_116 : vector<16xi32>
          %add3A_118 = arith.constant 48 : i32
          %add3A_119 = arith.addi %mul3A_97, %add3A_118 : i32
          %get3A_120 = arith.index_cast %add3A_119 : i32 to index
          %get3A_121 = tpu.vector_load %arg6[%get3A_120] {strides = array<i32>} : memref<4096xf32, #tpu.memory_space<vmem>>, vector<16xf32>,
          %ge3A_122 = arith.cmpf oge, %get3A_121, %mul3A_75 : vector<16xf32>
          %all_reduce_population_count3A_123 = tpu.all_reduce %ge3A_122 {dim = 0 : i64, kind = #tpu.reduction_kind<sum>} : vector<16xi1> -> vector<16xi32>
          %add3A_124 = arith.addi %scan3A_95, %all_reduce_population_count3A_123 : vector<16xi32>
          scf.yield %add3A_103, %add3A_110, %add3A_117, %add3A_124 : vector<16xi32>, vector<16xi32>, vector<16xi32>, vector<16xi32>
        }
        %scan3A_83 = arith.constant 64 : i32
        %add3A_84 = arith.addi %scan3A_82#0, %scan3A_82#1 : vector<16xi32>
        %add3A_85 = arith.addi %scan3A_82#2, %scan3A_82#3 : vector<16xi32>
        %add3A_86 = arith.addi %add3A_84, %add3A_85 : vector<16xi32>
        %ge3A = arith.constant 409 : i32
        %ge3A_87 = vector.broadcast %ge3A : i32 to vector<16xi32>
        %ge3A_88 = arith.cmpi sge, %add3A_86, %ge3A_87 : vector<16xi32>
        %select_n3A_89 = arith.select %ge3A_88, %mul3A_75, %scan3A_70 : vector<16xi1>, vector<16xf32>
        %select_n3A_90 = arith.select %ge3A_88, %scan3A_71, %mul3A_75 : vector<16xi1>, vector<16xf32>
        scf.yield %select_n3A_89, %select_n3A_90 : vector<16xf32>, vector<16xf32>
      }
      %scan3A_24 = arith.constant 28 : i32
      %broadcast_in_dim3A_25 = arith.constant 2.000000e+00 : f32
      %broadcast_in_dim3A_26 = vector.broadcast %broadcast_in_dim3A_25 : f32 to vector<16xf32>
      %scan3A_27 = arith.constant 0 : i32
      %scan3A_28 = arith.constant 256 : i32
      %scan3A_29 = arith.addi %scan3A_27, %scan3A_28 : i32
      %scan3A_30 = arith.constant 1 : i32
      %scan3A_31 = scf.for %scan3A_69 = %scan3A_27 to %scan3A_29 step %scan3A_30 iter_args(%scan3A_70 = %broadcast_in_dim3A_26) -> (vector<16xf32>)  : i32 {
        %mul3A_71 = arith.constant 16 : i32
        %mul3A_72 = arith.muli %scan3A_69, %mul3A_71 : i32
        %get3A_73 = arith.index_cast %mul3A_72 : i32 to index
        %get3A_74 = tpu.vector_load %arg6[%get3A_73] {strides = array<i32>} : memref<4096xf32, #tpu.memory_space<vmem>>, vector<16xf32>,
        %ge3A = arith.cmpf oge, %get3A_74, %scan3A_23#0 : vector<16xf32>
        %jit3A_75 = arith.constant 2.000000e+00 : f32
        %broadcast_in_dim3A_76 = vector.broadcast %jit3A_75 : f32 to vector<16xf32>
        %select_n3A_77 = arith.select %ge3A, %get3A_74, %broadcast_in_dim3A_76 : vector<16xi1>, vector<16xf32>
        %min3A = arith.minimumf %scan3A_70, %select_n3A_77 : vector<16xf32>
        scf.yield %min3A : vector<16xf32>
      }
      %scan3A_32 = arith.constant 256 : i32
      %masked_sort3A = arith.constant dense<true> : vector<16xi1>
      %masked_sort3A_33, %masked_sort3A_34, %masked_sort3A_35 = tpu.sort %scan3A_31, %scan3A_31 masked %masked_sort3A : (vector<16xf32>, vector<16xf32>, vector<16xi1>) -> (vector<16xi1>, vector<16xf32>, vector<16xf32>)
      %slice3A = vector.extract_strided_slice %masked_sort3A_34 {offsets = [0], sizes = [1], strides = [1]} : vector<16xf32> to vector<1xf32>
      %squeeze3A = vector.extract %slice3A[0] : f32 from vector<1xf32>
      %broadcast_in_dim3A_36 = vector.broadcast %squeeze3A : f32 to vector<16xf32>
      %scan3A_37 = arith.constant 0 : i32
      %scan3A_38 = arith.constant 0 : i32
      %scan3A_39 = arith.constant 0 : i32
      %scan3A_40 = arith.constant 256 : i32
      %scan3A_41 = arith.addi %scan3A_39, %scan3A_40 : i32
      %scan3A_42 = arith.constant 1 : i32
      %scan3A_43:2 = scf.for %scan3A_69 = %scan3A_39 to %scan3A_41 step %scan3A_42 iter_args(%scan3A_70 = %scan3A_37, %scan3A_71 = %scan3A_38) -> (i32, i32)  : i32 {
        %mul3A_72 = arith.constant 16 : i32
        %mul3A_73 = arith.muli %scan3A_69, %mul3A_72 : i32
        %get3A_74 = arith.index_cast %mul3A_73 : i32 to index
        %get3A_75 = tpu.vector_load %arg6[%get3A_74] {strides = array<i32>} : memref<4096xf32, #tpu.memory_space<vmem>>, vector<16xf32>,
        %iota3A_76 = tpu.iota {dimensions = array<i32: 0>} : vector<16xi32>
        %mul3A_77 = arith.constant 16 : i32
        %mul3A_78 = arith.muli %scan3A_69, %mul3A_77 : i32
        %add3A_79 = vector.broadcast %mul3A_78 : i32 to vector<16xi32>
        %add3A_80 = arith.addi %iota3A_76, %add3A_79 : vector<16xi32>
        %mul3A_81 = arith.constant 4096 : i32
        %mul3A_82 = arith.muli %arg0, %mul3A_81 : i32
        %add3A_83 = vector.broadcast %mul3A_82 : i32 to vector<16xi32>
        %add3A_84 = arith.addi %add3A_80, %add3A_83 : vector<16xi32>
        %gt3A = arith.cmpf ogt, %get3A_75, %broadcast_in_dim3A_36 : vector<16xf32>
        %eq3A_85 = arith.cmpf oeq, %get3A_75, %broadcast_in_dim3A_36 : vector<16xf32>
        %swap3A_86 = arith.index_cast %scan3A_70 : i32 to index
        %swap3A_87 = tpu.vector_load %arg7[%swap3A_86] masked %gt3A {strides = array<i32>} : memref<512xi32, #tpu.memory_space<vmem>>, vector<16xi32>, vector<16xi1>
        tpu.vector_store %arg7[%swap3A_86], %add3A_84 masked %gt3A {strides = array<i32>} : memref<512xi32, #tpu.memory_space<vmem>>, vector<16xi32>, vector<16xi1>
        %swap3A_88 = arith.index_cast %scan3A_71 : i32 to index
        %swap3A_89 = tpu.vector_load %arg8[%swap3A_88] masked %eq3A_85 {strides = array<i32>} : memref<4112xi32, #tpu.memory_space<vmem>>, vector<16xi32>, vector<16xi1>
        tpu.vector_store %arg8[%swap3A_88], %add3A_84 masked %eq3A_85 {strides = array<i32>} : memref<4112xi32, #tpu.memory_space<vmem>>, vector<16xi32>, vector<16xi1>
        %all_reduce_population_count3A = tpu.all_reduce %gt3A {dim = 0 : i64, kind = #tpu.reduction_kind<sum>} : vector<16xi1> -> vector<16xi32>
        %slice3A_90 = vector.extract_strided_slice %all_reduce_population_count3A {offsets = [0], sizes = [1], strides = [1]} : vector<16xi32> to vector<1xi32>
        %squeeze3A_91 = vector.extract %slice3A_90[0] : i32 from vector<1xi32>
        %add3A_92 = arith.addi %scan3A_70, %squeeze3A_91 : i32
        %all_reduce_population_count3A_93 = tpu.all_reduce %eq3A_85 {dim = 0 : i64, kind = #tpu.reduction_kind<sum>} : vector<16xi1> -> vector<16xi32>
        %slice3A_94 = vector.extract_strided_slice %all_reduce_population_count3A_93 {offsets = [0], sizes = [1], strides = [1]} : vector<16xi32> to vector<1xi32>
        %squeeze3A_95 = vector.extract %slice3A_94[0] : i32 from vector<1xi32>
        %add3A_96 = arith.addi %scan3A_71, %squeeze3A_95 : i32
        scf.yield %add3A_92, %add3A_96 : i32, i32
      }
      %scan3A_44 = arith.constant 256 : i32
      %mul3A_45 = arith.constant 4096 : i32
      %mul3A_46 = arith.muli %arg0, %mul3A_45 : i32
      %broadcast_in_dim3A_47 = vector.broadcast %mul3A_46 : i32 to vector<16xi32>
      %scan3A_48 = arith.constant 0 : i32
      %scan3A_49 = arith.constant 0 : i32
      %scan3A_50 = arith.constant 32 : i32
      %scan3A_51 = arith.addi %scan3A_49, %scan3A_50 : i32
      %scan3A_52 = arith.constant 1 : i32
      scf.for %scan3A_69 = %scan3A_49 to %scan3A_51 step %scan3A_52  : i32 {
        %mul3A_70 = arith.constant 16 : i32
        %mul3A_71 = arith.muli %scan3A_69, %mul3A_70 : i32
        %swap3A_72 = arith.index_cast %mul3A_71 : i32 to index
        %swap3A_73 = tpu.vector_load %arg9[%swap3A_72] {strides = array<i32>} : memref<512xi32, #tpu.memory_space<vmem>>, vector<16xi32>,
        tpu.vector_store %arg9[%swap3A_72], %broadcast_in_dim3A_47 {strides = array<i32>} : memref<512xi32, #tpu.memory_space<vmem>>, vector<16xi32>,
      }
      %scan3A_53 = arith.constant 32 : i32
      %scan3A_54 = arith.constant 0 : i32
      %scan3A_55 = arith.constant 0 : i32
      %scan3A_56 = arith.constant 26 : i32
      %scan3A_57 = arith.addi %scan3A_55, %scan3A_56 : i32
      %scan3A_58 = arith.constant 1 : i32
      scf.for %scan3A_69 = %scan3A_55 to %scan3A_57 step %scan3A_58  : i32 {
        %min3A = arith.constant 409 : i32
        %min3A_70 = arith.minsi %scan3A_43#0, %min3A : i32
        %mul3A_71 = arith.constant 16 : i32
        %mul3A_72 = arith.muli %scan3A_69, %mul3A_71 : i32
        %sub3A_73 = arith.subi %min3A_70, %mul3A_72 : i32
        %iota3A_74 = tpu.iota {dimensions = array<i32: 0>} : vector<16xi32>
        %lt3A = vector.broadcast %sub3A_73 : i32 to vector<16xi32>
        %lt3A_75 = arith.cmpi slt, %iota3A_74, %lt3A : vector<16xi32>
        %mul3A_76 = arith.constant 16 : i32
        %mul3A_77 = arith.muli %scan3A_69, %mul3A_76 : i32
        %get3A_78 = arith.index_cast %mul3A_77 : i32 to index
        %get3A_79 = tpu.vector_load %arg7[%get3A_78] {strides = array<i32>} : memref<512xi32, #tpu.memory_space<vmem>>, vector<16xi32>,
        %mul3A_80 = arith.constant 16 : i32
        %mul3A_81 = arith.muli %scan3A_69, %mul3A_80 : i32
        %add3A_82 = arith.constant 1 : i32
        %add3A_83 = arith.addi %add3A_82, %mul3A_81 : i32
        %swap3A_84 = arith.index_cast %add3A_83 : i32 to index
        %swap3A_85 = tpu.vector_load %arg9[%swap3A_84] masked %lt3A_75 {strides = array<i32>} : memref<512xi32, #tpu.memory_space<vmem>>, vector<16xi32>, vector<16xi1>
        tpu.vector_store %arg9[%swap3A_84], %get3A_79 masked %lt3A_75 {strides = array<i32>} : memref<512xi32, #tpu.memory_space<vmem>>, vector<16xi32>, vector<16xi1>
      }
      %scan3A_59 = arith.constant 26 : i32
      %sub3A = arith.constant 409 : i32
      %sub3A_60 = arith.subi %sub3A, %scan3A_43#0 : i32
      %scan3A_61 = arith.constant 0 : i32
      %scan3A_62 = arith.constant 0 : i32
      %scan3A_63 = arith.constant 26 : i32
      %scan3A_64 = arith.addi %scan3A_62, %scan3A_63 : i32
      %scan3A_65 = arith.constant 1 : i32
      scf.for %scan3A_69 = %scan3A_62 to %scan3A_64 step %scan3A_65  : i32 {
        %mul3A_70 = arith.constant 16 : i32
        %mul3A_71 = arith.muli %scan3A_69, %mul3A_70 : i32
        %sub3A_72 = arith.subi %sub3A_60, %mul3A_71 : i32
        %iota3A_73 = tpu.iota {dimensions = array<i32: 0>} : vector<16xi32>
        %lt3A = vector.broadcast %sub3A_72 : i32 to vector<16xi32>
        %lt3A_74 = arith.cmpi slt, %iota3A_73, %lt3A : vector<16xi32>
        %add3A_75 = arith.constant 1 : i32
        %add3A_76 = arith.addi %add3A_75, %scan3A_43#0 : i32
        %mul3A_77 = arith.constant 16 : i32
        %mul3A_78 = arith.muli %scan3A_69, %mul3A_77 : i32
        %add3A_79 = arith.addi %add3A_76, %mul3A_78 : i32
        %min3A = arith.constant 496 : i32
        %min3A_80 = arith.minsi %add3A_79, %min3A : i32
        %mul3A_81 = arith.constant 16 : i32
        %mul3A_82 = arith.muli %scan3A_69, %mul3A_81 : i32
        %get3A_83 = arith.index_cast %mul3A_82 : i32 to index
        %get3A_84 = tpu.vector_load %arg8[%get3A_83] {strides = array<i32>} : memref<4112xi32, #tpu.memory_space<vmem>>, vector<16xi32>,
        %swap3A_85 = arith.index_cast %min3A_80 : i32 to index
        %swap3A_86 = tpu.vector_load %arg9[%swap3A_85] masked %lt3A_74 {strides = array<i32>} : memref<512xi32, #tpu.memory_space<vmem>>, vector<16xi32>, vector<16xi1>
        tpu.vector_store %arg9[%swap3A_85], %get3A_84 masked %lt3A_74 {strides = array<i32>} : memref<512xi32, #tpu.memory_space<vmem>>, vector<16xi32>, vector<16xi1>
      }
      %scan3A_66 = arith.constant 26 : i32
      "tpu.region"() ({
        %run_scoped3A_69 = tpu.sem_alloc : memref<!tpu.dma_semaphore, #tpu.memory_space<semaphore_mem>>
        tpu.enqueue_dma source(%arg9 : memref<512xi32, #tpu.memory_space<vmem>>) target(%arg12 : memref<512xi32, #tpu.memory_space<vmem_shared>>) target_semaphore(%run_scoped3A_69 : memref<!tpu.dma_semaphore, #tpu.memory_space<semaphore_mem>>)
        tpu.wait_dma2 semaphore(%run_scoped3A_69 : memref<!tpu.dma_semaphore, #tpu.memory_space<semaphore_mem>>) src(%arg9 : memref<512xi32, #tpu.memory_space<vmem>>) dst(%arg12 : memref<512xi32, #tpu.memory_space<vmem_shared>>)
        tpu.yield
      }) : () -> ()
      %mul3A_67 = arith.constant 512 : i32
      %mul3A_68 = arith.muli %arg0, %mul3A_67 : i32
      "tpu.region"() ({
        %run_scoped3A_69 = tpu.sem_alloc : memref<!tpu.dma_semaphore, #tpu.memory_space<semaphore_mem>>
        %dma_start3A_70 = tpu.memref_slice %arg4[%mul3A_68] : memref<1024xi32, #tpu.memory_space<hbm>> -> memref<512xi32, #tpu.memory_space<hbm>>
        %dma_start3A_71 = tpu.memref_slice %arg4[%mul3A_68] : memref<1024xi32, #tpu.memory_space<hbm>> -> memref<512xi32, #tpu.memory_space<hbm>>
        tpu.enqueue_dma source(%arg9 : memref<512xi32, #tpu.memory_space<vmem>>) target(%dma_start3A_71 : memref<512xi32, #tpu.memory_space<hbm>>) target_semaphore(%run_scoped3A_69 : memref<!tpu.dma_semaphore, #tpu.memory_space<semaphore_mem>>)
        %dma_wait3A_72 = tpu.memref_slice %arg4[%mul3A_68] : memref<1024xi32, #tpu.memory_space<hbm>> -> memref<512xi32, #tpu.memory_space<hbm>>
        %dma_wait3A_73 = tpu.memref_slice %arg4[%mul3A_68] : memref<1024xi32, #tpu.memory_space<hbm>> -> memref<512xi32, #tpu.memory_space<hbm>>
        tpu.wait_dma2 semaphore(%run_scoped3A_69 : memref<!tpu.dma_semaphore, #tpu.memory_space<semaphore_mem>>) src(%arg9 : memref<512xi32, #tpu.memory_space<vmem>>) dst(%dma_wait3A_73 : memref<512xi32, #tpu.memory_space<hbm>>)
        tpu.yield
      }) : () -> ()
    } else {
    }
    %barrier3A = arith.constant 0 : index
    tpu.barrier barrier_id(%barrier3A)
    %mul3A = arith.constant 32 : i32
    %mul3A_2 = arith.muli %arg1, %mul3A : i32
    "tpu.region"() ({
      %run_scoped3A = tpu.sem_alloc : memref<!tpu.dma_semaphore, #tpu.memory_space<semaphore_mem>>
      %dma_start3A_11 = tpu.memref_slice %arg12[%mul3A_2] : memref<512xi32, #tpu.memory_space<vmem_shared>> -> memref<32xi32, #tpu.memory_space<vmem_shared>>
      %dma_start3A_12 = tpu.memref_slice %arg12[%mul3A_2] : memref<512xi32, #tpu.memory_space<vmem_shared>> -> memref<32xi32, #tpu.memory_space<vmem_shared>>
      tpu.enqueue_dma source(%dma_start3A_12 : memref<32xi32, #tpu.memory_space<vmem_shared>>) target(%arg10 : memref<32xi32, #tpu.memory_space<vmem>>) target_semaphore(%run_scoped3A : memref<!tpu.dma_semaphore, #tpu.memory_space<semaphore_mem>>)
      %dma_wait3A_13 = tpu.memref_slice %arg12[%mul3A_2] : memref<512xi32, #tpu.memory_space<vmem_shared>> -> memref<32xi32, #tpu.memory_space<vmem_shared>>
      %dma_wait3A_14 = tpu.memref_slice %arg12[%mul3A_2] : memref<512xi32, #tpu.memory_space<vmem_shared>> -> memref<32xi32, #tpu.memory_space<vmem_shared>>
      tpu.wait_dma2 semaphore(%run_scoped3A : memref<!tpu.dma_semaphore, #tpu.memory_space<semaphore_mem>>) src(%dma_wait3A_14 : memref<32xi32, #tpu.memory_space<vmem_shared>>) dst(%arg10 : memref<32xi32, #tpu.memory_space<vmem>>)
      tpu.yield
    }) : () -> ()
    %dma_start3A = arith.constant 0 : i32
    %dma_start3A_3 = arith.constant 0 : i32
    %dma_start3A_4 = tpu.memref_slice %arg3[%dma_start3A, %dma_start3A_3] : memref<8192x768xf32, #tpu.memory_space<hbm>> -> memref<8192x768xf32, #tpu.memory_space<hbm>>
    tpu.enqueue_indirect_dma source(%dma_start3A_4 : memref<8192x768xf32, #tpu.memory_space<hbm>>) target(%arg11 : memref<32x768xf32, #tpu.memory_space<vmem>>) offsets(%arg10 : memref<32xi32, #tpu.memory_space<vmem>>) semaphore(%arg13 : memref<!tpu.dma_semaphore, #tpu.memory_space<semaphore_mem>>)
    %dma_wait3A = arith.constant 0 : i32
    %dma_wait3A_5 = arith.constant 0 : i32
    %dma_wait3A_6 = tpu.memref_slice %arg3[%dma_wait3A, %dma_wait3A_5] : memref<8192x768xf32, #tpu.memory_space<hbm>> -> memref<8192x768xf32, #tpu.memory_space<hbm>>
    tpu.wait_indirect_dma semaphore(%arg13 : memref<!tpu.dma_semaphore, #tpu.memory_space<semaphore_mem>>) src(%dma_wait3A_6 : memref<8192x768xf32, #tpu.memory_space<hbm>>) dst(%arg11 : memref<32x768xf32, #tpu.memory_space<vmem>>)
    %mul3A_7 = arith.constant 512 : i32
    %mul3A_8 = arith.muli %arg0, %mul3A_7 : i32
    %mul3A_9 = arith.constant 32 : i32
    %mul3A_10 = arith.muli %arg1, %mul3A_9 : i32
    %add3A = arith.addi %mul3A_8, %mul3A_10 : i32
    "tpu.region"() ({
      %run_scoped3A = tpu.sem_alloc : memref<!tpu.dma_semaphore, #tpu.memory_space<semaphore_mem>>
      %dma_start3A_11 = arith.constant 0 : i32
      %dma_start3A_12 = tpu.memref_slice %arg5[%add3A, %dma_start3A_11] : memref<1024x768xf32, #tpu.memory_space<hbm>> -> memref<32x768xf32, #tpu.memory_space<hbm>>
      %dma_start3A_13 = arith.constant 0 : i32
      %dma_start3A_14 = tpu.memref_slice %arg5[%add3A, %dma_start3A_13] : memref<1024x768xf32, #tpu.memory_space<hbm>> -> memref<32x768xf32, #tpu.memory_space<hbm>>
      tpu.enqueue_dma source(%arg11 : memref<32x768xf32, #tpu.memory_space<vmem>>) target(%dma_start3A_14 : memref<32x768xf32, #tpu.memory_space<hbm>>) target_semaphore(%run_scoped3A : memref<!tpu.dma_semaphore, #tpu.memory_space<semaphore_mem>>)
      %dma_wait3A_15 = arith.constant 0 : i32
      %dma_wait3A_16 = tpu.memref_slice %arg5[%add3A, %dma_wait3A_15] : memref<1024x768xf32, #tpu.memory_space<hbm>> -> memref<32x768xf32, #tpu.memory_space<hbm>>
      %dma_wait3A_17 = arith.constant 0 : i32
      %dma_wait3A_18 = tpu.memref_slice %arg5[%add3A, %dma_wait3A_17] : memref<1024x768xf32, #tpu.memory_space<hbm>> -> memref<32x768xf32, #tpu.memory_space<hbm>>
      tpu.wait_dma2 semaphore(%run_scoped3A : memref<!tpu.dma_semaphore, #tpu.memory_space<semaphore_mem>>) src(%arg11 : memref<32x768xf32, #tpu.memory_space<vmem>>) dst(%dma_wait3A_18 : memref<32x768xf32, #tpu.memory_space<hbm>>)
      tpu.yield
    }) : () -> ()
    return
  }
}

module attributes {stable_mosaic.version = 14 : i64} {
  func.func @_kv_body(%arg0: i32, %arg1: memref<2048x768xf32, #tpu.memory_space<vmem>>, %arg2: memref<768x768xf32, #tpu.memory_space<vmem>>, %arg3: memref<768x768xf32, #tpu.memory_space<vmem>>, %arg4: memref<2048x768xbf16, #tpu.memory_space<vmem>>, %arg5: memref<2048x768xbf16, #tpu.memory_space<vmem>>) attributes {dimension_semantics = [#tpu.dimension_semantics<arbitrary>], iteration_bounds = array<i64: 4>, scalar_prefetch = 0 : i64, scratch_operands = 0 : i64, tpu.core_type = #tpu.core_type<tc>, window_params = [{transform_indices = @transform_0, window_bounds = array<i64: 2048, 768>}, {pipeline_mode = #tpu.pipeline_mode<synchronous>, transform_indices = @transform_1, window_bounds = array<i64: 768, 768>}, {pipeline_mode = #tpu.pipeline_mode<synchronous>, transform_indices = @transform_2, window_bounds = array<i64: 768, 768>}, {transform_indices = @transform_3, window_bounds = array<i64: 2048, 768>}, {transform_indices = @transform_4, window_bounds = array<i64: 2048, 768>}]} {
    %get3A = arith.constant 0 : index
    %get3A_0 = arith.constant 0 : index
    %get3A_1 = vector.load %arg1[%get3A, %get3A_0] : memref<2048x768xf32, #tpu.memory_space<vmem>>, vector<2048x768xf32>
    %convert_element_type3A = arith.truncf %get3A_1 : vector<2048x768xf32> to vector<2048x768xbf16>
    %get3A_2 = arith.constant 0 : index
    %get3A_3 = arith.constant 0 : index
    %get3A_4 = vector.load %arg2[%get3A_2, %get3A_3] : memref<768x768xf32, #tpu.memory_space<vmem>>, vector<768x768xf32>
    %convert_element_type3A_5 = arith.truncf %get3A_4 : vector<768x768xf32> to vector<768x768xbf16>
    %dot_general3A = arith.constant dense<0.000000e+00> : vector<2048x768xf32>
    %dot_general3A_6 = tpu.matmul %convert_element_type3A, %convert_element_type3A_5, %dot_general3A {dimension_numbers = #tpu.dot_dimension_numbers<[1], [1], [0], [0], [0, 0, 1, 0], [], []>, transpose_lhs_hint = false} : vector<2048x768xbf16>, vector<768x768xbf16>, vector<2048x768xf32> -> vector<2048x768xf32>
    %convert_element_type3A_7 = arith.truncf %dot_general3A_6 : vector<2048x768xf32> to vector<2048x768xbf16>
    %swap3A = arith.constant 0 : index
    %swap3A_8 = arith.constant 0 : index
    %swap3A_9 = vector.load %arg4[%swap3A, %swap3A_8] : memref<2048x768xbf16, #tpu.memory_space<vmem>>, vector<2048x768xbf16>
    tpu.vector_store %arg4[%swap3A, %swap3A_8], %convert_element_type3A_7 {strides = array<i32>} : memref<2048x768xbf16, #tpu.memory_space<vmem>>, vector<2048x768xbf16>,
    %get3A_10 = arith.constant 0 : index
    %get3A_11 = arith.constant 0 : index
    %get3A_12 = vector.load %arg3[%get3A_10, %get3A_11] : memref<768x768xf32, #tpu.memory_space<vmem>>, vector<768x768xf32>
    %convert_element_type3A_13 = arith.truncf %get3A_12 : vector<768x768xf32> to vector<768x768xbf16>
    %dot_general3A_14 = arith.constant dense<0.000000e+00> : vector<2048x768xf32>
    %dot_general3A_15 = tpu.matmul %convert_element_type3A, %convert_element_type3A_13, %dot_general3A_14 {dimension_numbers = #tpu.dot_dimension_numbers<[1], [1], [0], [0], [0, 0, 1, 0], [], []>, transpose_lhs_hint = false} : vector<2048x768xbf16>, vector<768x768xbf16>, vector<2048x768xf32> -> vector<2048x768xf32>
    %convert_element_type3A_16 = arith.truncf %dot_general3A_15 : vector<2048x768xf32> to vector<2048x768xbf16>
    %swap3A_17 = arith.constant 0 : index
    %swap3A_18 = arith.constant 0 : index
    %swap3A_19 = vector.load %arg5[%swap3A_17, %swap3A_18] : memref<2048x768xbf16, #tpu.memory_space<vmem>>, vector<2048x768xbf16>
    tpu.vector_store %arg5[%swap3A_17, %swap3A_18], %convert_element_type3A_16 {strides = array<i32>} : memref<2048x768xbf16, #tpu.memory_space<vmem>>, vector<2048x768xbf16>,
    return
  }
  func.func @transform_0(%arg0: i32) -> (i32, i32) {
    %c0_i32 = arith.constant 0 : i32
    %c0_i32_0 = arith.constant 0 : i32
    return %arg0, %c0_i32 : i32, i32
  }
  func.func @transform_1(%arg0: i32) -> (i32, i32) {
    %c0_i32 = arith.constant 0 : i32
    %c0_i32_0 = arith.constant 0 : i32
    %c0_i32_1 = arith.constant 0 : i32
    return %c0_i32, %c0_i32_0 : i32, i32
  }
  func.func @transform_2(%arg0: i32) -> (i32, i32) {
    %c0_i32 = arith.constant 0 : i32
    %c0_i32_0 = arith.constant 0 : i32
    %c0_i32_1 = arith.constant 0 : i32
    return %c0_i32, %c0_i32_0 : i32, i32
  }
  func.func @transform_3(%arg0: i32) -> (i32, i32) {
    %c0_i32 = arith.constant 0 : i32
    %c0_i32_0 = arith.constant 0 : i32
    return %arg0, %c0_i32 : i32, i32
  }
  func.func @transform_4(%arg0: i32) -> (i32, i32) {
    %c0_i32 = arith.constant 0 : i32
    %c0_i32_0 = arith.constant 0 : i32
    return %arg0, %c0_i32 : i32, i32
  }
}

module attributes {stable_mosaic.version = 14 : i64} {
  func.func @_proj_body(%arg0: i32, %arg1: memref<1024x768xf32, #tpu.memory_space<vmem>>, %arg2: memref<1x1x512xi32, #tpu.memory_space<vmem>>, %arg3: memref<1x512x768xbf16, #tpu.memory_space<vmem>>, %arg4: memref<1x512x768xf32, #tpu.memory_space<vmem>>, %arg5: memref<768x768xf32, #tpu.memory_space<vmem>>, %arg6: memref<1x768xf32, #tpu.memory_space<vmem>>, %arg7: memref<1024x768xf32, #tpu.memory_space<vmem>>) attributes {dimension_semantics = [#tpu.dimension_semantics<arbitrary>], iteration_bounds = array<i64: 8>, scalar_prefetch = 0 : i64, scratch_operands = 0 : i64, tpu.core_type = #tpu.core_type<tc>, window_params = [{transform_indices = @transform_0, window_bounds = array<i64: 1024, 768>}, {transform_indices = @transform_1, window_bounds = array<i64: 1, 1, 512>}, {transform_indices = @transform_2, window_bounds = array<i64: 1, 512, 768>}, {transform_indices = @transform_3, window_bounds = array<i64: 1, 512, 768>}, {pipeline_mode = #tpu.pipeline_mode<synchronous>, transform_indices = @transform_4, window_bounds = array<i64: 768, 768>}, {pipeline_mode = #tpu.pipeline_mode<synchronous>, transform_indices = @transform_5, window_bounds = array<i64: 1, 768>}, {transform_indices = @transform_6, window_bounds = array<i64: 1024, 768>}]} {
    %jit3A = arith.constant 4 : i32
    %div3A = arith.divsi %arg0, %jit3A : i32
    %sign3A = arith.constant 0 : i32
    %sign3A_0 = arith.cmpi sgt, %arg0, %sign3A : i32
    %sign3A_1 = arith.extui %sign3A_0 : i1 to i32
    %sign3A_2 = arith.constant 0 : i32
    %sign3A_3 = arith.cmpi slt, %arg0, %sign3A_2 : i32
    %sign3A_4 = arith.extui %sign3A_3 : i1 to i32
    %sign3A_5 = arith.subi %sign3A_1, %sign3A_4 : i32
    %sign3A_6 = arith.constant 0 : i32
    %sign3A_7 = arith.cmpi sgt, %jit3A, %sign3A_6 : i32
    %sign3A_8 = arith.extui %sign3A_7 : i1 to i32
    %sign3A_9 = arith.constant 0 : i32
    %sign3A_10 = arith.cmpi slt, %jit3A, %sign3A_9 : i32
    %sign3A_11 = arith.extui %sign3A_10 : i1 to i32
    %sign3A_12 = arith.subi %sign3A_8, %sign3A_11 : i32
    %ne3A = arith.cmpi ne, %sign3A_5, %sign3A_12 : i32
    %rem3A = arith.remsi %arg0, %jit3A : i32
    %ne3A_13 = arith.constant 0 : i32
    %ne3A_14 = arith.cmpi ne, %rem3A, %ne3A_13 : i32
    %and3A = arith.andi %ne3A, %ne3A_14 : i1
    %sub3A = arith.constant 1 : i32
    %sub3A_15 = arith.subi %div3A, %sub3A : i32
    %select_n3A = arith.select %and3A, %sub3A_15, %div3A : i32
    %get3A = arith.constant 0 : index
    %get3A_16 = arith.constant 0 : index
    %get3A_17 = arith.constant 0 : index
    %get3A_18 = vector.load %arg2[%get3A, %get3A_16, %get3A_17] : memref<1x1x512xi32, #tpu.memory_space<vmem>>, vector<1x1x512xi32>
    %get3A_19 = vector.shape_cast %get3A_18 : vector<1x1x512xi32> to vector<512xi32>
    %iota3A = tpu.iota {dimensions = array<i32: 1>} : vector<1x512xi32>
    %eq3A = arith.constant 0 : i32
    %eq3A_20 = vector.broadcast %eq3A : i32 to vector<1x512xi32>
    %eq3A_21 = arith.cmpi eq, %iota3A, %eq3A_20 : vector<1x512xi32>
    %broadcast_in_dim3A = vector.shape_cast %get3A_19 : vector<512xi32> to vector<1x512xi32>
    %mul3A = arith.constant 4096 : i32
    %mul3A_22 = arith.muli %select_n3A, %mul3A : i32
    %ne3A_23 = vector.broadcast %mul3A_22 : i32 to vector<1x512xi32>
    %ne3A_24 = arith.cmpi ne, %broadcast_in_dim3A, %ne3A_23 : vector<1x512xi32>
    %or3A = arith.ori %eq3A_21, %ne3A_24 : vector<1x512xi1>
    %iota3A_25 = tpu.iota {dimensions = array<i32: 0>} : vector<1024x1xi32>
    %mul3A_26 = arith.constant 1024 : i32
    %mul3A_27 = arith.muli %arg0, %mul3A_26 : i32
    %add3A = vector.broadcast %mul3A_27 : i32 to vector<1024x1xi32>
    %add3A_28 = arith.addi %iota3A_25, %add3A : vector<1024x1xi32>
    %broadcast_in_dim3A_29 = vector.shape_cast %get3A_19 : vector<512xi32> to vector<1x512xi32>
    %eq3A_30 = vector.broadcast %add3A_28 : vector<1024x1xi32> to vector<1024x512xi32>
    %eq3A_31 = vector.broadcast %broadcast_in_dim3A_29 : vector<1x512xi32> to vector<1024x512xi32>
    %eq3A_32 = arith.cmpi eq, %eq3A_30, %eq3A_31 : vector<1024x512xi32>
    %and3A_33 = vector.broadcast %or3A : vector<1x512xi1> to vector<1024x512xi1>
    %and3A_34 = arith.andi %eq3A_32, %and3A_33 : vector<1024x512xi1>
    %jit3A_35 = arith.constant 1.000000e+00 : f32
    %jit3A_36 = arith.constant 0.000000e+00 : f32
    %broadcast_in_dim3A_37 = vector.broadcast %jit3A_35 : f32 to vector<1024x512xf32>
    %broadcast_in_dim3A_38 = vector.broadcast %jit3A_36 : f32 to vector<1024x512xf32>
    %select_n3A_39 = arith.select %and3A_34, %broadcast_in_dim3A_37, %broadcast_in_dim3A_38 : vector<1024x512xi1>, vector<1024x512xf32>
    %convert_element_type3A = arith.truncf %select_n3A_39 : vector<1024x512xf32> to vector<1024x512xbf16>
    %get3A_40 = arith.constant 0 : index
    %get3A_41 = arith.constant 0 : index
    %get3A_42 = arith.constant 0 : index
    %get3A_43 = vector.load %arg3[%get3A_40, %get3A_41, %get3A_42] : memref<1x512x768xbf16, #tpu.memory_space<vmem>>, vector<1x512x768xbf16>
    %get3A_44 = vector.shape_cast %get3A_43 : vector<1x512x768xbf16> to vector<512x768xbf16>
    %get3A_45 = arith.constant 0 : index
    %get3A_46 = arith.constant 0 : index
    %get3A_47 = arith.constant 0 : index
    %get3A_48 = vector.load %arg4[%get3A_45, %get3A_46, %get3A_47] : memref<1x512x768xf32, #tpu.memory_space<vmem>>, vector<1x512x768xf32>
    %get3A_49 = vector.shape_cast %get3A_48 : vector<1x512x768xf32> to vector<512x768xf32>
    %convert_element_type3A_50 = arith.truncf %get3A_49 : vector<512x768xf32> to vector<512x768xbf16>
    %sub3A_51 = arith.subf %get3A_44, %convert_element_type3A_50 : vector<512x768xbf16>
    %get3A_52 = arith.constant 0 : index
    %get3A_53 = arith.constant 0 : index
    %get3A_54 = vector.load %arg1[%get3A_52, %get3A_53] : memref<1024x768xf32, #tpu.memory_space<vmem>>, vector<1024x768xf32>
    %dot_general3A = arith.constant dense<0.000000e+00> : vector<1024x768xf32>
    %dot_general3A_55 = tpu.matmul %convert_element_type3A, %sub3A_51, %dot_general3A {dimension_numbers = #tpu.dot_dimension_numbers<[1], [0], [0], [1], [0, 0, 1, 1], [], []>, transpose_lhs_hint = false} : vector<1024x512xbf16>, vector<512x768xbf16>, vector<1024x768xf32> -> vector<1024x768xf32>
    %add3A_56 = arith.addf %get3A_54, %dot_general3A_55 : vector<1024x768xf32>
    %convert_element_type3A_57 = arith.truncf %add3A_56 : vector<1024x768xf32> to vector<1024x768xbf16>
    %get3A_58 = arith.constant 0 : index
    %get3A_59 = arith.constant 0 : index
    %get3A_60 = vector.load %arg5[%get3A_58, %get3A_59] : memref<768x768xf32, #tpu.memory_space<vmem>>, vector<768x768xf32>
    %convert_element_type3A_61 = arith.truncf %get3A_60 : vector<768x768xf32> to vector<768x768xbf16>
    %dot_general3A_62 = arith.constant dense<0.000000e+00> : vector<1024x768xf32>
    %dot_general3A_63 = tpu.matmul %convert_element_type3A_57, %convert_element_type3A_61, %dot_general3A_62 {dimension_numbers = #tpu.dot_dimension_numbers<[1], [1], [0], [0], [0, 0, 1, 0], [], []>, transpose_lhs_hint = false} : vector<1024x768xbf16>, vector<768x768xbf16>, vector<1024x768xf32> -> vector<1024x768xf32>
    %get3A_64 = arith.constant 0 : index
    %get3A_65 = arith.constant 0 : index
    %get3A_66 = vector.load %arg6[%get3A_64, %get3A_65] : memref<1x768xf32, #tpu.memory_space<vmem>>, vector<1x768xf32>
    %add3A_67 = vector.broadcast %get3A_66 : vector<1x768xf32> to vector<1024x768xf32>
    %add3A_68 = arith.addf %dot_general3A_63, %add3A_67 : vector<1024x768xf32>
    %swap3A = arith.constant 0 : index
    %swap3A_69 = arith.constant 0 : index
    %swap3A_70 = vector.load %arg7[%swap3A, %swap3A_69] : memref<1024x768xf32, #tpu.memory_space<vmem>>, vector<1024x768xf32>
    tpu.vector_store %arg7[%swap3A, %swap3A_69], %add3A_68 {strides = array<i32>} : memref<1024x768xf32, #tpu.memory_space<vmem>>, vector<1024x768xf32>,
    return
  }
  func.func @transform_0(%arg0: i32) -> (i32, i32) {
    %c0_i32 = arith.constant 0 : i32
    %c0_i32_0 = arith.constant 0 : i32
    return %arg0, %c0_i32 : i32, i32
  }
  func.func @transform_1(%arg0: i32) -> (i32, i32, i32) {
    %jit3A = arith.constant 4 : i32
    %div3A = arith.divsi %arg0, %jit3A : i32
    %sign3A = arith.constant 0 : i32
    %sign3A_0 = arith.cmpi sgt, %arg0, %sign3A : i32
    %sign3A_1 = arith.extui %sign3A_0 : i1 to i32
    %sign3A_2 = arith.constant 0 : i32
    %sign3A_3 = arith.cmpi slt, %arg0, %sign3A_2 : i32
    %sign3A_4 = arith.extui %sign3A_3 : i1 to i32
    %sign3A_5 = arith.subi %sign3A_1, %sign3A_4 : i32
    %sign3A_6 = arith.constant 0 : i32
    %sign3A_7 = arith.cmpi sgt, %jit3A, %sign3A_6 : i32
    %sign3A_8 = arith.extui %sign3A_7 : i1 to i32
    %sign3A_9 = arith.constant 0 : i32
    %sign3A_10 = arith.cmpi slt, %jit3A, %sign3A_9 : i32
    %sign3A_11 = arith.extui %sign3A_10 : i1 to i32
    %sign3A_12 = arith.subi %sign3A_8, %sign3A_11 : i32
    %ne3A = arith.cmpi ne, %sign3A_5, %sign3A_12 : i32
    %rem3A = arith.remsi %arg0, %jit3A : i32
    %ne3A_13 = arith.constant 0 : i32
    %ne3A_14 = arith.cmpi ne, %rem3A, %ne3A_13 : i32
    %and3A = arith.andi %ne3A, %ne3A_14 : i1
    %sub3A = arith.constant 1 : i32
    %sub3A_15 = arith.subi %div3A, %sub3A : i32
    %select_n3A = arith.select %and3A, %sub3A_15, %div3A : i32
    %c0_i32 = arith.constant 0 : i32
    %c0_i32_16 = arith.constant 0 : i32
    %c0_i32_17 = arith.constant 0 : i32
    return %select_n3A, %c0_i32, %c0_i32_16 : i32, i32, i32
  }
  func.func @transform_2(%arg0: i32) -> (i32, i32, i32) {
    %jit3A = arith.constant 4 : i32
    %div3A = arith.divsi %arg0, %jit3A : i32
    %sign3A = arith.constant 0 : i32
    %sign3A_0 = arith.cmpi sgt, %arg0, %sign3A : i32
    %sign3A_1 = arith.extui %sign3A_0 : i1 to i32
    %sign3A_2 = arith.constant 0 : i32
    %sign3A_3 = arith.cmpi slt, %arg0, %sign3A_2 : i32
    %sign3A_4 = arith.extui %sign3A_3 : i1 to i32
    %sign3A_5 = arith.subi %sign3A_1, %sign3A_4 : i32
    %sign3A_6 = arith.constant 0 : i32
    %sign3A_7 = arith.cmpi sgt, %jit3A, %sign3A_6 : i32
    %sign3A_8 = arith.extui %sign3A_7 : i1 to i32
    %sign3A_9 = arith.constant 0 : i32
    %sign3A_10 = arith.cmpi slt, %jit3A, %sign3A_9 : i32
    %sign3A_11 = arith.extui %sign3A_10 : i1 to i32
    %sign3A_12 = arith.subi %sign3A_8, %sign3A_11 : i32
    %ne3A = arith.cmpi ne, %sign3A_5, %sign3A_12 : i32
    %rem3A = arith.remsi %arg0, %jit3A : i32
    %ne3A_13 = arith.constant 0 : i32
    %ne3A_14 = arith.cmpi ne, %rem3A, %ne3A_13 : i32
    %and3A = arith.andi %ne3A, %ne3A_14 : i1
    %sub3A = arith.constant 1 : i32
    %sub3A_15 = arith.subi %div3A, %sub3A : i32
    %select_n3A = arith.select %and3A, %sub3A_15, %div3A : i32
    %c0_i32 = arith.constant 0 : i32
    %c0_i32_16 = arith.constant 0 : i32
    %c0_i32_17 = arith.constant 0 : i32
    return %select_n3A, %c0_i32, %c0_i32_16 : i32, i32, i32
  }
  func.func @transform_3(%arg0: i32) -> (i32, i32, i32) {
    %jit3A = arith.constant 4 : i32
    %div3A = arith.divsi %arg0, %jit3A : i32
    %sign3A = arith.constant 0 : i32
    %sign3A_0 = arith.cmpi sgt, %arg0, %sign3A : i32
    %sign3A_1 = arith.extui %sign3A_0 : i1 to i32
    %sign3A_2 = arith.constant 0 : i32
    %sign3A_3 = arith.cmpi slt, %arg0, %sign3A_2 : i32
    %sign3A_4 = arith.extui %sign3A_3 : i1 to i32
    %sign3A_5 = arith.subi %sign3A_1, %sign3A_4 : i32
    %sign3A_6 = arith.constant 0 : i32
    %sign3A_7 = arith.cmpi sgt, %jit3A, %sign3A_6 : i32
    %sign3A_8 = arith.extui %sign3A_7 : i1 to i32
    %sign3A_9 = arith.constant 0 : i32
    %sign3A_10 = arith.cmpi slt, %jit3A, %sign3A_9 : i32
    %sign3A_11 = arith.extui %sign3A_10 : i1 to i32
    %sign3A_12 = arith.subi %sign3A_8, %sign3A_11 : i32
    %ne3A = arith.cmpi ne, %sign3A_5, %sign3A_12 : i32
    %rem3A = arith.remsi %arg0, %jit3A : i32
    %ne3A_13 = arith.constant 0 : i32
    %ne3A_14 = arith.cmpi ne, %rem3A, %ne3A_13 : i32
    %and3A = arith.andi %ne3A, %ne3A_14 : i1
    %sub3A = arith.constant 1 : i32
    %sub3A_15 = arith.subi %div3A, %sub3A : i32
    %select_n3A = arith.select %and3A, %sub3A_15, %div3A : i32
    %c0_i32 = arith.constant 0 : i32
    %c0_i32_16 = arith.constant 0 : i32
    %c0_i32_17 = arith.constant 0 : i32
    return %select_n3A, %c0_i32, %c0_i32_16 : i32, i32, i32
  }
  func.func @transform_4(%arg0: i32) -> (i32, i32) {
    %c0_i32 = arith.constant 0 : i32
    %c0_i32_0 = arith.constant 0 : i32
    %c0_i32_1 = arith.constant 0 : i32
    return %c0_i32, %c0_i32_0 : i32, i32
  }
  func.func @transform_5(%arg0: i32) -> (i32, i32) {
    %c0_i32 = arith.constant 0 : i32
    %c0_i32_0 = arith.constant 0 : i32
    %c0_i32_1 = arith.constant 0 : i32
    return %c0_i32, %c0_i32_0 : i32, i32
  }
  func.func @transform_6(%arg0: i32) -> (i32, i32) {
    %c0_i32 = arith.constant 0 : i32
    %c0_i32_0 = arith.constant 0 : i32
    return %arg0, %c0_i32 : i32, i32
  }
}

module attributes {stable_mosaic.version = 14 : i64} {
  func.func @_attn_body(%arg0: i32, %arg1: i32, %arg2: memref<1x4096x384xbf16, #tpu.memory_space<vmem>>, %arg3: memref<1x4096x384xbf16, #tpu.memory_space<vmem>>, %arg4: memref<384x768xf32, #tpu.memory_space<vmem>>, %arg5: memref<1x512x768xf32, #tpu.memory_space<vmem>>, %arg6: memref<1x512x384xbf16, #tpu.memory_space<vmem>>) attributes {dimension_semantics = [#tpu.dimension_semantics<arbitrary>, #tpu.dimension_semantics<arbitrary>], iteration_bounds = array<i64: 2, 2>, scalar_prefetch = 0 : i64, scratch_operands = 0 : i64, tpu.core_type = #tpu.core_type<tc>, window_params = [{transform_indices = @transform_0, window_bounds = array<i64: 1, 4096, 384>}, {transform_indices = @transform_1, window_bounds = array<i64: 1, 4096, 384>}, {transform_indices = @transform_2, window_bounds = array<i64: 384, 768>}, {transform_indices = @transform_3, window_bounds = array<i64: 1, 512, 768>}, {transform_indices = @transform_4, window_bounds = array<i64: 1, 512, 384>}]} {
    %get3A = arith.constant 0 : index
    %get3A_0 = arith.constant 0 : index
    %get3A_1 = arith.constant 0 : index
    %get3A_2 = vector.load %arg5[%get3A, %get3A_0, %get3A_1] : memref<1x512x768xf32, #tpu.memory_space<vmem>>, vector<1x512x768xf32>
    %get3A_3 = vector.shape_cast %get3A_2 : vector<1x512x768xf32> to vector<512x768xf32>
    %convert_element_type3A = arith.truncf %get3A_3 : vector<512x768xf32> to vector<512x768xbf16>
    %get3A_4 = arith.constant 0 : index
    %get3A_5 = arith.constant 0 : index
    %get3A_6 = vector.load %arg4[%get3A_4, %get3A_5] : memref<384x768xf32, #tpu.memory_space<vmem>>, vector<384x768xf32>
    %convert_element_type3A_7 = arith.truncf %get3A_6 : vector<384x768xf32> to vector<384x768xbf16>
    %dot_general3A = arith.constant dense<0.000000e+00> : vector<512x384xf32>
    %dot_general3A_8 = tpu.matmul %convert_element_type3A, %convert_element_type3A_7, %dot_general3A {dimension_numbers = #tpu.dot_dimension_numbers<[1], [1], [0], [0], [0, 0, 1, 0], [], []>, transpose_lhs_hint = false} : vector<512x768xbf16>, vector<384x768xbf16>, vector<512x384xf32> -> vector<512x384xf32>
    %mul3A = arith.constant 1.250000e-01 : f32
    %mul3A_9 = vector.broadcast %mul3A : f32 to vector<512x384xf32>
    %mul3A_10 = arith.mulf %dot_general3A_8, %mul3A_9 : vector<512x384xf32>
    %convert_element_type3A_11 = arith.truncf %mul3A_10 : vector<512x384xf32> to vector<512x384xbf16>
    %get3A_12 = arith.constant 0 : index
    %get3A_13 = arith.constant 0 : index
    %get3A_14 = arith.constant 0 : index
    %get3A_15 = vector.load %arg2[%get3A_12, %get3A_13, %get3A_14] : memref<1x4096x384xbf16, #tpu.memory_space<vmem>>, vector<1x4096x384xbf16>
    %get3A_16 = vector.shape_cast %get3A_15 : vector<1x4096x384xbf16> to vector<4096x384xbf16>
    %slice3A = vector.extract_strided_slice %get3A_16 {offsets = [0, 0], sizes = [4096, 64], strides = [1, 1]} : vector<4096x384xbf16> to vector<4096x64xbf16>
    %get3A_17 = arith.constant 0 : index
    %get3A_18 = arith.constant 0 : index
    %get3A_19 = arith.constant 0 : index
    %get3A_20 = vector.load %arg3[%get3A_17, %get3A_18, %get3A_19] : memref<1x4096x384xbf16, #tpu.memory_space<vmem>>, vector<1x4096x384xbf16>
    %get3A_21 = vector.shape_cast %get3A_20 : vector<1x4096x384xbf16> to vector<4096x384xbf16>
    %slice3A_22 = vector.extract_strided_slice %get3A_21 {offsets = [0, 0], sizes = [4096, 64], strides = [1, 1]} : vector<4096x384xbf16> to vector<4096x64xbf16>
    %slice3A_23 = vector.extract_strided_slice %convert_element_type3A_11 {offsets = [0, 0], sizes = [512, 64], strides = [1, 1]} : vector<512x384xbf16> to vector<512x64xbf16>
    %dot_general3A_24 = arith.constant dense<0.000000e+00> : vector<512x4096xf32>
    %dot_general3A_25 = tpu.matmul %slice3A_23, %slice3A, %dot_general3A_24 {dimension_numbers = #tpu.dot_dimension_numbers<[1], [1], [0], [0], [0, 0, 1, 0], [], []>, transpose_lhs_hint = false} : vector<512x64xbf16>, vector<4096x64xbf16>, vector<512x4096xf32> -> vector<512x4096xf32>
    %exp3A = math.exp %dot_general3A_25 : vector<512x4096xf32>
    %reduce_sum3A = arith.constant dense<0.000000e+00> : vector<512xf32>
    %reduce_sum3A_26 = vector.multi_reduction <add>, %exp3A, %reduce_sum3A [1] : vector<512x4096xf32> to vector<512xf32>
    %broadcast_in_dim3A = vector.shape_cast %reduce_sum3A_26 : vector<512xf32> to vector<512x1xf32>
    %convert_element_type3A_27 = arith.truncf %exp3A : vector<512x4096xf32> to vector<512x4096xbf16>
    %dot_general3A_28 = arith.constant dense<0.000000e+00> : vector<512x64xf32>
    %dot_general3A_29 = tpu.matmul %convert_element_type3A_27, %slice3A_22, %dot_general3A_28 {dimension_numbers = #tpu.dot_dimension_numbers<[1], [0], [0], [1], [0, 0, 1, 1], [], []>, transpose_lhs_hint = false} : vector<512x4096xbf16>, vector<4096x64xbf16>, vector<512x64xf32> -> vector<512x64xf32>
    %div3A = vector.broadcast %broadcast_in_dim3A : vector<512x1xf32> to vector<512x64xf32>
    %div3A_30 = arith.divf %dot_general3A_29, %div3A : vector<512x64xf32>
    %get3A_31 = arith.constant 0 : index
    %get3A_32 = arith.constant 0 : index
    %get3A_33 = arith.constant 0 : index
    %get3A_34 = vector.load %arg2[%get3A_31, %get3A_32, %get3A_33] : memref<1x4096x384xbf16, #tpu.memory_space<vmem>>, vector<1x4096x384xbf16>
    %get3A_35 = vector.shape_cast %get3A_34 : vector<1x4096x384xbf16> to vector<4096x384xbf16>
    %slice3A_36 = vector.extract_strided_slice %get3A_35 {offsets = [0, 64], sizes = [4096, 64], strides = [1, 1]} : vector<4096x384xbf16> to vector<4096x64xbf16>
    %get3A_37 = arith.constant 0 : index
    %get3A_38 = arith.constant 0 : index
    %get3A_39 = arith.constant 0 : index
    %get3A_40 = vector.load %arg3[%get3A_37, %get3A_38, %get3A_39] : memref<1x4096x384xbf16, #tpu.memory_space<vmem>>, vector<1x4096x384xbf16>
    %get3A_41 = vector.shape_cast %get3A_40 : vector<1x4096x384xbf16> to vector<4096x384xbf16>
    %slice3A_42 = vector.extract_strided_slice %get3A_41 {offsets = [0, 64], sizes = [4096, 64], strides = [1, 1]} : vector<4096x384xbf16> to vector<4096x64xbf16>
    %slice3A_43 = vector.extract_strided_slice %convert_element_type3A_11 {offsets = [0, 64], sizes = [512, 64], strides = [1, 1]} : vector<512x384xbf16> to vector<512x64xbf16>
    %dot_general3A_44 = arith.constant dense<0.000000e+00> : vector<512x4096xf32>
    %dot_general3A_45 = tpu.matmul %slice3A_43, %slice3A_36, %dot_general3A_44 {dimension_numbers = #tpu.dot_dimension_numbers<[1], [1], [0], [0], [0, 0, 1, 0], [], []>, transpose_lhs_hint = false} : vector<512x64xbf16>, vector<4096x64xbf16>, vector<512x4096xf32> -> vector<512x4096xf32>
    %exp3A_46 = math.exp %dot_general3A_45 : vector<512x4096xf32>
    %reduce_sum3A_47 = arith.constant dense<0.000000e+00> : vector<512xf32>
    %reduce_sum3A_48 = vector.multi_reduction <add>, %exp3A_46, %reduce_sum3A_47 [1] : vector<512x4096xf32> to vector<512xf32>
    %broadcast_in_dim3A_49 = vector.shape_cast %reduce_sum3A_48 : vector<512xf32> to vector<512x1xf32>
    %convert_element_type3A_50 = arith.truncf %exp3A_46 : vector<512x4096xf32> to vector<512x4096xbf16>
    %dot_general3A_51 = arith.constant dense<0.000000e+00> : vector<512x64xf32>
    %dot_general3A_52 = tpu.matmul %convert_element_type3A_50, %slice3A_42, %dot_general3A_51 {dimension_numbers = #tpu.dot_dimension_numbers<[1], [0], [0], [1], [0, 0, 1, 1], [], []>, transpose_lhs_hint = false} : vector<512x4096xbf16>, vector<4096x64xbf16>, vector<512x64xf32> -> vector<512x64xf32>
    %div3A_53 = vector.broadcast %broadcast_in_dim3A_49 : vector<512x1xf32> to vector<512x64xf32>
    %div3A_54 = arith.divf %dot_general3A_52, %div3A_53 : vector<512x64xf32>
    %get3A_55 = arith.constant 0 : index
    %get3A_56 = arith.constant 0 : index
    %get3A_57 = arith.constant 0 : index
    %get3A_58 = vector.load %arg2[%get3A_55, %get3A_56, %get3A_57] : memref<1x4096x384xbf16, #tpu.memory_space<vmem>>, vector<1x4096x384xbf16>
    %get3A_59 = vector.shape_cast %get3A_58 : vector<1x4096x384xbf16> to vector<4096x384xbf16>
    %slice3A_60 = vector.extract_strided_slice %get3A_59 {offsets = [0, 128], sizes = [4096, 64], strides = [1, 1]} : vector<4096x384xbf16> to vector<4096x64xbf16>
    %get3A_61 = arith.constant 0 : index
    %get3A_62 = arith.constant 0 : index
    %get3A_63 = arith.constant 0 : index
    %get3A_64 = vector.load %arg3[%get3A_61, %get3A_62, %get3A_63] : memref<1x4096x384xbf16, #tpu.memory_space<vmem>>, vector<1x4096x384xbf16>
    %get3A_65 = vector.shape_cast %get3A_64 : vector<1x4096x384xbf16> to vector<4096x384xbf16>
    %slice3A_66 = vector.extract_strided_slice %get3A_65 {offsets = [0, 128], sizes = [4096, 64], strides = [1, 1]} : vector<4096x384xbf16> to vector<4096x64xbf16>
    %slice3A_67 = vector.extract_strided_slice %convert_element_type3A_11 {offsets = [0, 128], sizes = [512, 64], strides = [1, 1]} : vector<512x384xbf16> to vector<512x64xbf16>
    %dot_general3A_68 = arith.constant dense<0.000000e+00> : vector<512x4096xf32>
    %dot_general3A_69 = tpu.matmul %slice3A_67, %slice3A_60, %dot_general3A_68 {dimension_numbers = #tpu.dot_dimension_numbers<[1], [1], [0], [0], [0, 0, 1, 0], [], []>, transpose_lhs_hint = false} : vector<512x64xbf16>, vector<4096x64xbf16>, vector<512x4096xf32> -> vector<512x4096xf32>
    %exp3A_70 = math.exp %dot_general3A_69 : vector<512x4096xf32>
    %reduce_sum3A_71 = arith.constant dense<0.000000e+00> : vector<512xf32>
    %reduce_sum3A_72 = vector.multi_reduction <add>, %exp3A_70, %reduce_sum3A_71 [1] : vector<512x4096xf32> to vector<512xf32>
    %broadcast_in_dim3A_73 = vector.shape_cast %reduce_sum3A_72 : vector<512xf32> to vector<512x1xf32>
    %convert_element_type3A_74 = arith.truncf %exp3A_70 : vector<512x4096xf32> to vector<512x4096xbf16>
    %dot_general3A_75 = arith.constant dense<0.000000e+00> : vector<512x64xf32>
    %dot_general3A_76 = tpu.matmul %convert_element_type3A_74, %slice3A_66, %dot_general3A_75 {dimension_numbers = #tpu.dot_dimension_numbers<[1], [0], [0], [1], [0, 0, 1, 1], [], []>, transpose_lhs_hint = false} : vector<512x4096xbf16>, vector<4096x64xbf16>, vector<512x64xf32> -> vector<512x64xf32>
    %div3A_77 = vector.broadcast %broadcast_in_dim3A_73 : vector<512x1xf32> to vector<512x64xf32>
    %div3A_78 = arith.divf %dot_general3A_76, %div3A_77 : vector<512x64xf32>
    %get3A_79 = arith.constant 0 : index
    %get3A_80 = arith.constant 0 : index
    %get3A_81 = arith.constant 0 : index
    %get3A_82 = vector.load %arg2[%get3A_79, %get3A_80, %get3A_81] : memref<1x4096x384xbf16, #tpu.memory_space<vmem>>, vector<1x4096x384xbf16>
    %get3A_83 = vector.shape_cast %get3A_82 : vector<1x4096x384xbf16> to vector<4096x384xbf16>
    %slice3A_84 = vector.extract_strided_slice %get3A_83 {offsets = [0, 192], sizes = [4096, 64], strides = [1, 1]} : vector<4096x384xbf16> to vector<4096x64xbf16>
    %get3A_85 = arith.constant 0 : index
    %get3A_86 = arith.constant 0 : index
    %get3A_87 = arith.constant 0 : index
    %get3A_88 = vector.load %arg3[%get3A_85, %get3A_86, %get3A_87] : memref<1x4096x384xbf16, #tpu.memory_space<vmem>>, vector<1x4096x384xbf16>
    %get3A_89 = vector.shape_cast %get3A_88 : vector<1x4096x384xbf16> to vector<4096x384xbf16>
    %slice3A_90 = vector.extract_strided_slice %get3A_89 {offsets = [0, 192], sizes = [4096, 64], strides = [1, 1]} : vector<4096x384xbf16> to vector<4096x64xbf16>
    %slice3A_91 = vector.extract_strided_slice %convert_element_type3A_11 {offsets = [0, 192], sizes = [512, 64], strides = [1, 1]} : vector<512x384xbf16> to vector<512x64xbf16>
    %dot_general3A_92 = arith.constant dense<0.000000e+00> : vector<512x4096xf32>
    %dot_general3A_93 = tpu.matmul %slice3A_91, %slice3A_84, %dot_general3A_92 {dimension_numbers = #tpu.dot_dimension_numbers<[1], [1], [0], [0], [0, 0, 1, 0], [], []>, transpose_lhs_hint = false} : vector<512x64xbf16>, vector<4096x64xbf16>, vector<512x4096xf32> -> vector<512x4096xf32>
    %exp3A_94 = math.exp %dot_general3A_93 : vector<512x4096xf32>
    %reduce_sum3A_95 = arith.constant dense<0.000000e+00> : vector<512xf32>
    %reduce_sum3A_96 = vector.multi_reduction <add>, %exp3A_94, %reduce_sum3A_95 [1] : vector<512x4096xf32> to vector<512xf32>
    %broadcast_in_dim3A_97 = vector.shape_cast %reduce_sum3A_96 : vector<512xf32> to vector<512x1xf32>
    %convert_element_type3A_98 = arith.truncf %exp3A_94 : vector<512x4096xf32> to vector<512x4096xbf16>
    %dot_general3A_99 = arith.constant dense<0.000000e+00> : vector<512x64xf32>
    %dot_general3A_100 = tpu.matmul %convert_element_type3A_98, %slice3A_90, %dot_general3A_99 {dimension_numbers = #tpu.dot_dimension_numbers<[1], [0], [0], [1], [0, 0, 1, 1], [], []>, transpose_lhs_hint = false} : vector<512x4096xbf16>, vector<4096x64xbf16>, vector<512x64xf32> -> vector<512x64xf32>
    %div3A_101 = vector.broadcast %broadcast_in_dim3A_97 : vector<512x1xf32> to vector<512x64xf32>
    %div3A_102 = arith.divf %dot_general3A_100, %div3A_101 : vector<512x64xf32>
    %get3A_103 = arith.constant 0 : index
    %get3A_104 = arith.constant 0 : index
    %get3A_105 = arith.constant 0 : index
    %get3A_106 = vector.load %arg2[%get3A_103, %get3A_104, %get3A_105] : memref<1x4096x384xbf16, #tpu.memory_space<vmem>>, vector<1x4096x384xbf16>
    %get3A_107 = vector.shape_cast %get3A_106 : vector<1x4096x384xbf16> to vector<4096x384xbf16>
    %slice3A_108 = vector.extract_strided_slice %get3A_107 {offsets = [0, 256], sizes = [4096, 64], strides = [1, 1]} : vector<4096x384xbf16> to vector<4096x64xbf16>
    %get3A_109 = arith.constant 0 : index
    %get3A_110 = arith.constant 0 : index
    %get3A_111 = arith.constant 0 : index
    %get3A_112 = vector.load %arg3[%get3A_109, %get3A_110, %get3A_111] : memref<1x4096x384xbf16, #tpu.memory_space<vmem>>, vector<1x4096x384xbf16>
    %get3A_113 = vector.shape_cast %get3A_112 : vector<1x4096x384xbf16> to vector<4096x384xbf16>
    %slice3A_114 = vector.extract_strided_slice %get3A_113 {offsets = [0, 256], sizes = [4096, 64], strides = [1, 1]} : vector<4096x384xbf16> to vector<4096x64xbf16>
    %slice3A_115 = vector.extract_strided_slice %convert_element_type3A_11 {offsets = [0, 256], sizes = [512, 64], strides = [1, 1]} : vector<512x384xbf16> to vector<512x64xbf16>
    %dot_general3A_116 = arith.constant dense<0.000000e+00> : vector<512x4096xf32>
    %dot_general3A_117 = tpu.matmul %slice3A_115, %slice3A_108, %dot_general3A_116 {dimension_numbers = #tpu.dot_dimension_numbers<[1], [1], [0], [0], [0, 0, 1, 0], [], []>, transpose_lhs_hint = false} : vector<512x64xbf16>, vector<4096x64xbf16>, vector<512x4096xf32> -> vector<512x4096xf32>
    %exp3A_118 = math.exp %dot_general3A_117 : vector<512x4096xf32>
    %reduce_sum3A_119 = arith.constant dense<0.000000e+00> : vector<512xf32>
    %reduce_sum3A_120 = vector.multi_reduction <add>, %exp3A_118, %reduce_sum3A_119 [1] : vector<512x4096xf32> to vector<512xf32>
    %broadcast_in_dim3A_121 = vector.shape_cast %reduce_sum3A_120 : vector<512xf32> to vector<512x1xf32>
    %convert_element_type3A_122 = arith.truncf %exp3A_118 : vector<512x4096xf32> to vector<512x4096xbf16>
    %dot_general3A_123 = arith.constant dense<0.000000e+00> : vector<512x64xf32>
    %dot_general3A_124 = tpu.matmul %convert_element_type3A_122, %slice3A_114, %dot_general3A_123 {dimension_numbers = #tpu.dot_dimension_numbers<[1], [0], [0], [1], [0, 0, 1, 1], [], []>, transpose_lhs_hint = false} : vector<512x4096xbf16>, vector<4096x64xbf16>, vector<512x64xf32> -> vector<512x64xf32>
    %div3A_125 = vector.broadcast %broadcast_in_dim3A_121 : vector<512x1xf32> to vector<512x64xf32>
    %div3A_126 = arith.divf %dot_general3A_124, %div3A_125 : vector<512x64xf32>
    %get3A_127 = arith.constant 0 : index
    %get3A_128 = arith.constant 0 : index
    %get3A_129 = arith.constant 0 : index
    %get3A_130 = vector.load %arg2[%get3A_127, %get3A_128, %get3A_129] : memref<1x4096x384xbf16, #tpu.memory_space<vmem>>, vector<1x4096x384xbf16>
    %get3A_131 = vector.shape_cast %get3A_130 : vector<1x4096x384xbf16> to vector<4096x384xbf16>
    %slice3A_132 = vector.extract_strided_slice %get3A_131 {offsets = [0, 320], sizes = [4096, 64], strides = [1, 1]} : vector<4096x384xbf16> to vector<4096x64xbf16>
    %get3A_133 = arith.constant 0 : index
    %get3A_134 = arith.constant 0 : index
    %get3A_135 = arith.constant 0 : index
    %get3A_136 = vector.load %arg3[%get3A_133, %get3A_134, %get3A_135] : memref<1x4096x384xbf16, #tpu.memory_space<vmem>>, vector<1x4096x384xbf16>
    %get3A_137 = vector.shape_cast %get3A_136 : vector<1x4096x384xbf16> to vector<4096x384xbf16>
    %slice3A_138 = vector.extract_strided_slice %get3A_137 {offsets = [0, 320], sizes = [4096, 64], strides = [1, 1]} : vector<4096x384xbf16> to vector<4096x64xbf16>
    %slice3A_139 = vector.extract_strided_slice %convert_element_type3A_11 {offsets = [0, 320], sizes = [512, 64], strides = [1, 1]} : vector<512x384xbf16> to vector<512x64xbf16>
    %dot_general3A_140 = arith.constant dense<0.000000e+00> : vector<512x4096xf32>
    %dot_general3A_141 = tpu.matmul %slice3A_139, %slice3A_132, %dot_general3A_140 {dimension_numbers = #tpu.dot_dimension_numbers<[1], [1], [0], [0], [0, 0, 1, 0], [], []>, transpose_lhs_hint = false} : vector<512x64xbf16>, vector<4096x64xbf16>, vector<512x4096xf32> -> vector<512x4096xf32>
    %exp3A_142 = math.exp %dot_general3A_141 : vector<512x4096xf32>
    %reduce_sum3A_143 = arith.constant dense<0.000000e+00> : vector<512xf32>
    %reduce_sum3A_144 = vector.multi_reduction <add>, %exp3A_142, %reduce_sum3A_143 [1] : vector<512x4096xf32> to vector<512xf32>
    %broadcast_in_dim3A_145 = vector.shape_cast %reduce_sum3A_144 : vector<512xf32> to vector<512x1xf32>
    %convert_element_type3A_146 = arith.truncf %exp3A_142 : vector<512x4096xf32> to vector<512x4096xbf16>
    %dot_general3A_147 = arith.constant dense<0.000000e+00> : vector<512x64xf32>
    %dot_general3A_148 = tpu.matmul %convert_element_type3A_146, %slice3A_138, %dot_general3A_147 {dimension_numbers = #tpu.dot_dimension_numbers<[1], [0], [0], [1], [0, 0, 1, 1], [], []>, transpose_lhs_hint = false} : vector<512x4096xbf16>, vector<4096x64xbf16>, vector<512x64xf32> -> vector<512x64xf32>
    %div3A_149 = vector.broadcast %broadcast_in_dim3A_145 : vector<512x1xf32> to vector<512x64xf32>
    %div3A_150 = arith.divf %dot_general3A_148, %div3A_149 : vector<512x64xf32>
    %concatenate3A = tpu.concatenate %div3A_30, %div3A_54, %div3A_78, %div3A_102, %div3A_126, %div3A_150 in 1 : vector<512x64xf32>, vector<512x64xf32>, vector<512x64xf32>, vector<512x64xf32>, vector<512x64xf32>, vector<512x64xf32> -> vector<512x384xf32>
    %convert_element_type3A_151 = arith.truncf %concatenate3A : vector<512x384xf32> to vector<512x384xbf16>
    %swap3A = arith.constant 0 : index
    %swap3A_152 = arith.constant 0 : index
    %swap3A_153 = arith.constant 0 : index
    %swap3A_154 = vector.load %arg6[%swap3A, %swap3A_152, %swap3A_153] : memref<1x512x384xbf16, #tpu.memory_space<vmem>>, vector<1x512x384xbf16>
    %swap3A_155 = vector.shape_cast %swap3A_154 : vector<1x512x384xbf16> to vector<512x384xbf16>
    %swap3A_156 = vector.shape_cast %convert_element_type3A_151 : vector<512x384xbf16> to vector<1x512x384xbf16>
    tpu.vector_store %arg6[%swap3A, %swap3A_152, %swap3A_153], %swap3A_156 {strides = array<i32>} : memref<1x512x384xbf16, #tpu.memory_space<vmem>>, vector<1x512x384xbf16>,
    return
  }
  func.func @transform_0(%arg0: i32, %arg1: i32) -> (i32, i32, i32) {
    %c0_i32 = arith.constant 0 : i32
    %c0_i32_0 = arith.constant 0 : i32
    return %arg0, %c0_i32, %arg1 : i32, i32, i32
  }
  func.func @transform_1(%arg0: i32, %arg1: i32) -> (i32, i32, i32) {
    %c0_i32 = arith.constant 0 : i32
    %c0_i32_0 = arith.constant 0 : i32
    return %arg0, %c0_i32, %arg1 : i32, i32, i32
  }
  func.func @transform_2(%arg0: i32, %arg1: i32) -> (i32, i32) {
    %c0_i32 = arith.constant 0 : i32
    %c0_i32_0 = arith.constant 0 : i32
    return %arg1, %c0_i32 : i32, i32
  }
  func.func @transform_3(%arg0: i32, %arg1: i32) -> (i32, i32, i32) {
    %c0_i32 = arith.constant 0 : i32
    %c0_i32_0 = arith.constant 0 : i32
    %c0_i32_1 = arith.constant 0 : i32
    return %arg0, %c0_i32, %c0_i32_0 : i32, i32, i32
  }
  func.func @transform_4(%arg0: i32, %arg1: i32) -> (i32, i32, i32) {
    %c0_i32 = arith.constant 0 : i32
    %c0_i32_0 = arith.constant 0 : i32
    return %arg0, %c0_i32, %arg1 : i32, i32, i32
  }
}

</mosaic_0001>

<sc_bundles>
// kernel: kernel.6.cloned.1.call-start
scs
__scs_entry_jumppad:
0x0: {  	(pc) =	sbr.rel $0x88, $3  }
0x1: {  	(tag) =	ssettag $0x0;
	lr =	simm.s32 $0x1  }
0x2: {  	[smem:$0x3F9A] =	sst lr;
	_ =	strace $0xD0000000  }
0x3: {  	_ = 	snop  }
0x4: {  	_ = 	snop  }
0x5: {  	_ = 	snop  }
0x6: {  	_ = 	snop  }
0x7: {  	_ = 	snop  }
__scs_overlays_trampoline_lowered:
0x8: {  	[smem:$0x3FA9] =	sst s0  }
0x9: {  	[smem:$0x3FAA] =	sst s1  }
0xa: {  	[smem:$0x3FAB] =	sst s2  }
0xb: {  	[smem:$0x3FAC] =	sst s3  }
0xc: {  	[smem:$0x3FAD] =	sst s4  }
0xd: {  	[smem:$0x3FAE] =	sst s5  }
0xe: {  	[smem:$0x3FAF] =	sst s6  }
0xf: {  	[smem:$0x3FB0] =	sst s7  }
0x10: {  	[smem:$0x3FB1] =	sst s8  }
0x11: {  	[smem:$0x3FB2] =	sst s9;
	s0 =	simm.s32 @!p0 $0x0  }
0x12: {  	s1 =	sld [smem:$0x3F98];
	s0 =	simm.s32 @p0 $0x1  }
0x13: {  	[smem:$0x3FB3] =	sst s0;
	s0 =	simm.s32 @!p1 $0x0  }
0x14: {  	s2 =	sld [smem:$0x3F97];
	s0 =	simm.s32 @p1 $0x1  }
0x15: {  	[smem:$0x3FB4] =	sst s0;
	s0 =	simm.s32 @!p2 $0x0  }
0x16: {  	s3 =	sld [smem:$0x3FDB];
	s0 =	simm.s32 @p2 $0x1  }
0x17: {  	s4 =	simm.s32 $0x1BF5;
	[smem:$0x3FB6] =	sst s0  }
0x18: {  	s0 =	sld [smem:$0x3F99];
	_ =	swait.ge [sflag:s4], $0x0  }
0x19: {  	s7 =	sld [smem:$0x3F9A]  }
0x1a: {  	s8 =	sadd.s32 $0xFFFFE003, lr  }
0x1b: {  	s9 =	sadd.s32 $0xFFFFFEF7, lr;
	s5 =	simm.s32 $0xFFFFFFFF;
	p2 =	slt.u32 s8, $0xFFFFF086  }
0x1c: {  	p1 =	slt.u32 s9, $0xF7A;
	s5 =	simm.s32 @!p2 $0x0  }
0x1d: {  	s5 =	simm.s32 @p1 $0x1;
	p0 =	seq.s32 s7, s2  }
0x1e: {  	s7 =	smul.u32 @!p0 $0xF7A, s2;
	p2 =	seq.s32 @!p0 s5, $0x0  }
0x1f: {  	s9 =	smul.u32 $0xF7A, s1;
	s8 =	simm.s32 @!p0 $0x1BF5;
	p2 =	por !p2, p0  }
0x20: {  	[sflag:s8] =	ssyncset.s32 @!p0 $0xFFFFF086;
	s6 =	sadd.s32 @!p0 s3, s7;
	s7 =	simm.s32 @!p0 $0x108  }
0x21: {  	s3 =	sadd.s32 s3, s9;
	s6 =	sadd.s32 @!p0 $0x88, s6;
	s7 =	simm.s32 @p2 $0x1082  }
0x22: {  	[simem:s7], [sflag:s8] =	dma.local @!p0 [hbm:s6], $0xF7A  }
0x23: {  	s9 =	sor.u32 $0xD0000000, s2;
	s6 =	simm.s32 $0x108;
	_ =	swait.ge @!p0 [sflag:s8], $0x0  }
0x24: {  	s3 =	sadd.s32 $0x88, s3;
	s6 =	simm.s32 @!p1 $0x1082;
	[sflag:s4] =	ssyncset.s32 $0xFFFFF086  }
0x25: {  	[simem:s6], [sflag:s4] =	dma.local [hbm:s3], $0xF7A  }
0x26: {  	[smem:$0x3F9A] =	sst s1;
	(tag) =	ssettag s2;
	_ =	strace s9  }
0x27: {  	s1 =	sld [smem:$0x3FAA]  }
0x28: {  	s2 =	sld [smem:$0x3FAB]  }
0x29: {  	s4 =	sld [smem:$0x3FAD]  }
0x2a: {  	p0 =	seq.s32 s5, $0x0;
	s5 =	sld [smem:$0x3FAE]  }
0x2b: {  	s6 =	sld [smem:$0x3FAF]  }
0x2c: {  	s7 =	sld [smem:$0x3FB0]  }
0x2d: {  	s3 =	simm.s32 $0x108;
	s8 =	sld [smem:$0x3FB1]  }
0x2e: {  	s3 =	simm.s32 @!p0 $0x1082;
	s9 =	sld [smem:$0x3FB2]  }
0x2f: {  	lr =	sadd.s32 s0, s3;
	s0 =	sld [smem:$0x3FA9]  }
0x30: {  	s3 =	sld [smem:$0x3FAC]  }
0x31: {  	[smem:$0x3FB5] =	sst s10  }
0x32: {  	s10 =	sld [smem:$0x3FB3];
	_ =	sdelay $0x3  }
0x33: {  	p0 =	seq.s32 s10, $0x1;
	s10 =	sld [smem:$0x3FB5];
	_ =	sdelay $0x3  }
0x34: {  	[smem:$0x3FB5] =	sst s10  }
0x35: {  	s10 =	sld [smem:$0x3FB4];
	_ =	sdelay $0x3  }
0x36: {  	p1 =	seq.s32 s10, $0x1;
	s10 =	sld [smem:$0x3FB5];
	_ =	sdelay $0x3  }
0x37: {  	[smem:$0x3FB5] =	sst s10  }
0x38: {  	s10 =	sld [smem:$0x3FB6]  }
0x39: {  	_ = 	snop;
	(pc) =	sbr.ind lr, $3  }
0x3a: {  	_ = 	snop  }
0x3b: {  	_ = 	snop  }
0x3c: {  	p2 =	seq.s32 s10, $0x1;
	s10 =	sld [smem:$0x3FB5]  }
0x3d: {  	_ =	shalt  }
0x3e: {  	_ =	shalt  }
0x3f: {  	_ =	shalt  }
0x40: {  	_ =	shalt  }
0x41: {  	_ =	shalt  }
0x42: {  	_ =	shalt  }
0x43: {  	_ =	shalt  }
0x44: {  	_ =	shalt  }
0x45: {  	_ =	shalt  }
0x46: {  	_ =	shalt  }
0x47: {  	_ =	shalt  }
0x48: {  	_ =	shalt  }
0x49: {  	_ =	shalt  }
0x4a: {  	_ =	shalt  }
0x4b: {  	_ =	shalt  }
0x4c: {  	_ =	shalt  }
0x4d: {  	_ =	shalt  }
0x4e: {  	_ =	shalt  }
0x4f: {  	_ =	shalt  }
0x50: {  	_ =	shalt  }
0x51: {  	_ =	shalt  }
0x52: {  	_ =	shalt  }
0x53: {  	_ =	shalt  }
0x54: {  	_ =	shalt  }
0x55: {  	_ =	shalt  }
0x56: {  	_ =	shalt  }
0x57: {  	_ =	shalt  }
0x58: {  	_ =	shalt  }
0x59: {  	_ =	shalt  }
0x5a: {  	_ =	shalt  }
0x5b: {  	_ =	shalt  }
0x5c: {  	_ =	shalt  }
0x5d: {  	_ =	shalt  }
0x5e: {  	_ =	shalt  }
0x5f: {  	_ =	shalt  }
0x60: {  	_ =	shalt  }
0x61: {  	_ =	shalt  }
0x62: {  	_ =	shalt  }
0x63: {  	_ =	shalt  }
0x64: {  	_ =	shalt  }
0x65: {  	_ =	shalt  }
0x66: {  	_ =	shalt  }
0x67: {  	_ =	shalt  }
0x68: {  	_ =	shalt  }
0x69: {  	_ =	shalt  }
0x6a: {  	_ =	shalt  }
0x6b: {  	_ =	shalt  }
0x6c: {  	_ =	shalt  }
0x6d: {  	_ =	shalt  }
0x6e: {  	_ =	shalt  }
0x6f: {  	_ =	shalt  }
0x70: {  	_ =	shalt  }
0x71: {  	_ =	shalt  }
0x72: {  	_ =	shalt  }
0x73: {  	_ =	shalt  }
0x74: {  	_ =	shalt  }
0x75: {  	_ =	shalt  }
0x76: {  	_ =	shalt  }
0x77: {  	_ =	shalt  }
0x78: {  	_ =	shalt  }
0x79: {  	_ =	shalt  }
0x7a: {  	_ =	shalt  }
0x7b: {  	_ =	shalt  }
0x7c: {  	_ =	shalt  }
0x7d: {  	_ =	shalt  }
0x7e: {  	_ =	shalt  }
0x7f: {  	_ =	shalt  }
0x80: {  	_ =	shalt  }
0x81: {  	_ =	shalt  }
0x82: {  	_ =	shalt  }
0x83: {  	_ =	shalt  }
0x84: {  	_ =	shalt  }
0x85: {  	_ =	shalt  }
0x86: {  	_ =	shalt  }
0x87: {  	_ =	shalt  }
.Lfunc_end0:
.L_simem_size_0:
called_computation_lowered:
.L_overlay_start_0:
0x88: {  	s2 =	sld [smem:$0x3FD9]  }
0x89: {  	s3 =	sld [smem:$0x3FFE];
	_ =	sdelay $0x1  }
0x8a: {  	s1 =	srdreg.scid  }
0x8b: {  	s0 =	sand.u32 $0x1, s1  }
0x8c: {  	s17 =	sshll.u32 s0, $0xA;
	s2 =	sadd.s32 s3, s2  }
0x8d: {  	s2 =	sadd.s32 s2, s17  }
0x8e: {  	[smem:$0x3FC1] =	sst s2  }
0x8f: {  	_ = 	snop  }
0x90: {  	s2 =	sld [smem:$0x3FC9]  }
0x91: {  	s18 =	sld [smem:$0x3FC8];
	(tm) =	ssettm $0x1  }
0x92: {  	s4 =	sld [smem:$0x3FFB];
	_ =	sdelay $0x3  }
0x93: {  	_ =	strace s4  }
0x94: {  	s4 =	sld [smem:$0x3FFC];
	_ =	sdelay $0x3  }
0x95: {  	_ =	strace s4  }
0x96: {  	s4 =	sld [smem:$0x3FFD];
	_ =	sdelay $0x3  }
0x97: {  	_ =	strace s4  }
0x98: {  	_ =	strace $0x8FFFFFFF  }
0x99: {  	s19 =	sld [smem:$0x3FDB];
	_ =	sdelay $0x1  }
0x9a: {  	s5 =	simm.s32 $_scs_section_size  }
0x9b: {  	s6 =	simm.s32 $_size__tile_overlayer_lowered;
	s7 =	simm.s32 $_tile_overlayer_lowered  }
0x9c: {  	s22 =	simm.s32 $0x1BFF;
	s21 =	sshll.u32 s7, $0x1;
	s4 =	sadd.s32 s5, s19  }
0x9d: {  	s8 =	simm.s32 $0x0;
	s20 =	sshll.u32 s6, $0x1;
	s6 =	sadd.s32 s21, s4  }
0x9e: {  	[timem:s8], [sflag:s22] =	dma.local [hbm:s6], s20  }
0x9f: {  	_ =	swait.ge [sflag:s22], s20  }
0xa0: {  	s5 =	ssub.s32 $0x0, s20;
	[sflag:s22] =	ssyncset.done $0x0  }
0xa1: {  	[sflag:s22] =	ssyncadd.s32 s5;
	_ =	sdelay $0x1  }
0xa2: {  	s23 =	simm.s32 $0x1B8B  }
0xa3: {  	_ =	swait.ge [sflag:s23], $0x1  }
0xa4: {  	[sflag:s23] =	ssyncset.done $0x0  }
0xa5: {  	s25 =	simm.s32 $0x1B8E;
	s24 =	sld [smem:$0x3FFE];
	[sflag:s23] =	ssyncadd.s32 $0xFFFFFFFF  }
0xa6: {  	s26 =	simm.s32 $execute0_lowered;
	[smem:$0x3FD2] =	sst s25  }
0xa7: {  	s6 =	sshll.u32 s26, $0x1;
	_ =	strace $0x80000046;
	[dreg:$0x1] =	wrdreg $0xFFFFFFFF  }
0xa8: {  	s28 =	simm.s32 $_size_execute0_lowered;
	s4 =	sadd.s32 s4, s6;
	[dreg:$0x0] =	wrdreg $0x0  }
0xa9: {  	s6 =	sshll.u32 s28, $0x1;
	[dreg:$0x2] =	wrdreg s4  }
0xaa: {  	[dreg:$0x3] =	wrdreg s6  }
0xab: {  	[dreg:$0x4] =	wrdreg $0xC0  }
0xac: {  	_ =	task [dreg:s8], $0x5FFFF  }
0xad: {  	[dreg:$0x1] =	wrdreg $0xFFFFFFFF  }
0xae: {  	[dreg:$0x0] =	wrdreg $0x60  }
0xaf: {  	[dreg:$0x2] =	wrdreg s18  }
0xb0: {  	[dreg:$0x3] =	wrdreg s2  }
0xb1: {  	[dreg:$0x4] =	wrdreg s24  }
0xb2: {  	[dreg:$0x5] =	wrdreg $0x85000  }
0xb3: {  	[dreg:$0x6] =	wrdreg $0x9  }
0xb4: {  	_ =	task.clear_ibuf [dreg:s8], $0x7FFFF;
	_ =	strace $0x90000046  }
0xb5: {  	s29 =	simm.s32 $0x9;
	_ =	strace $0x80000048  }
0xb6: {  	_ =	swait.ge [sflag:s29], $0x1  }
0xb7: {  	[sflag:s29] =	ssyncadd.s32 $0xFFFFFFFF  }
0xb8: {  	_ =	strace $0x90000048  }
0xb9: {  	_ =	sfence  }
0xba: {  	s30 =	sld [smem:$0x0];
	_ =	sdelay $0x2  }
0xbb: {  	s31 =	sshll.u32 s1, $0xD;
	s1 =	sshrl.u32 s1, $0x2  }
0xbc: {  	s3 =	sand.u32 $0x4000, s31;
	s1 =	sadd.s32 s1, s30  }
0xbd: {  	s0 =	sor.u32 s3, s0;
	s1 =	sshll.u32 s1, $0x11  }
0xbe: {  	s0 =	sor.u32 s1, s0  }
0xbf: {  	s0 =	sadd.s32 $0x8F2B, s0  }
0xc0: {  	[sflag:s0] =	ssyncadd.remote.s32 $0x1  }
0xc1: {  	_ =	sfence.sel $0xFFFF  }
0xc2: {  	[dreg:$0x0] =	wrdreg $0xFFFFFFFF;
	(pc) =	sbr.abs _section_cstart, $3  }
0xc3: {  	[dreg:$0x1] =	wrdreg $0xFFFFFFFF  }
0xc4: {  	_ =	task.clear_ibuf [dreg:s8], $0x2FFFF;
	_ =	strace $0x9FFFFFFF  }
0xc5: {  	(tm) =	ssettm $0x7FFFFFFF  }
tec
execute0_lowered:
.L_overlay_start_1:
0x0: {  	(tag) =	ssettag $0x1  }
0x1: {  	s0 =	rddreg [dreg:$0x0]  }
0x2: {  	s1 =	rddreg [dreg:$0x1]  }
0x3: {  	s2 =	rddreg [dreg:$0x2]  }
0x4: {  	s13 =	rddreg [dreg:$0x3];
	s3 =	srdreg.scid  }
0x5: {  	s12 =	stileid.u32;
	s14 =	simm.s32 $0x2;
	s16 =	simm.s32 $0x2480  }
0x6: {  	s17 =	simm.s32 $0x2500;
	s18 =	simm.s32 $0x2D00;
	s19 =	simm.s32 $0x3500  }
0x7: {  	s20 =	simm.s32 $0x3D00;
	s21 =	simm.s32 $0x4500;
	s22 =	simm.s32 $0x4D00  }
0x8: {  	s23 =	simm.s32 $0x5500;
	s24 =	simm.s32 $0x5D00;
	s25 =	simm.s32 $0x6500  }
0x9: {  	s28 =	simm.s32 $0x7500;
	s29 =	simm.s32 $0x7D00;
	s30 =	simm.s32 $0x1  }
0xa: {  	s31 =	simm.s32 $0x0;
	s5 =	sand.u32 $0x1, s3;
	s3 =	simm.s32 $0x0  }
0xb: {  	s7 =	sshll.u32 s12, $0x5;
	p0 =	sne.s32 s12, $0x0;
	s4 =	sshll.u32 s5, $0x9  }
0xc: {  	[smem:$0x7FF] =	sst s3;
	s6 =	sshll.u32 s5, $0x6;
	s8 =	ssub.s32 $0x2, s5  }
0xd: {  	s10 =	sshll.u32 s5, $0x15;
	s5 =	sshll.u32 s5, $0xC;
	s4 =	sor.u32 s7, s4  }
0xe: {  	_ =	strace $0x80000047;
	s6 =	sadd.s32 s6, s2;
	s9 =	sshrl.u32 s8, $0x1  }
.Ltmp0:
0xf: {  	s0 =	sadd.s32 s0, s10;
	s4 =	sshrl.u32 s4, $0x3;
	(pc) =	sbr.rel .LBB2_1-.Ltmp0, $4  }
0x10: {  	s7 =	sadd.s32 s7, s13;
	s11 =	ssub.s32 s8, s9;
	s4 =	smul.u32 $0x300, s4  }
0x11: {  	v0 =	vlaneseq.u32;
	[dreg:$0x5] =	wrdreg s0;
	s26 =	sadd.s32 $0x19A00, s6;
	s8 =	sadd.s32 $0x100, s1  }
0x12: {  	vm0 =	vmmov $0xffff;
	v2 =	vand.u32 $0x7, v0;
	v3 =	vshrl.u32 v0, $0x3;
	s9 =	sadd.s32 $0x200, s1;
	[dreg:$0x6] =	wrdreg s26;
	s2 =	sadd.s32 s4, s2  }
0x13: {  	v4 =	vor.u32 $0x8, v0;
	v3 =	vmul.u32 $0x8, v3;
	v1 =	vmov s5;
	s11 =	smax.u32 s11, $0x1;
	s26 =	simm.s32 $0x6D00;
	s10 =	sadd.s32 $0x1A00, s2  }
.LBB2_15:
0x14: {  	[bflag:$0x0] =	sbarrier.arrive $0xFFFF  }
0x15: {  	[tilespmem:s16], [sflag:$0x2] =	stream.linear.gather [spmem:s7], $0x20, $0x38;
	[tilespmem:$0x8520] =	vst v63  }
0x16: {  	_ =	swait.ge [sflag:s14], $0x20  }
0x17: {  	[sflag:s14] =	ssyncset.done $0x0  }
0x18: {  	[sflag:s14] =	ssyncadd.s32 $0xFFFFFFE0  }
0x19: {  	v5 =	vld [tilespmem:$0x2480];
	_ =	sdelay $0x4  }
0x1a: {  	v6 =	vshrl.u32 v5, $0x3  }
0x1b: {  	v6 =	vmul.u32 $0x30, v6  }
0x1c: {  	v5 =	vand.u32 $0x7, v5  }
0x1d: {  	v5 =	vor.u32 v5, v6  }
0x1e: {  	v6 =	vperm.xlane v5, v2;
	_ =	sdelay $0x1  }
0x1f: {  	v6 =	vadd.s32 v3, v6;
	_ =	sdelay $0x3  }
0x20: {  	v5 =	vperm.xlane v5, v4  }
0x21: {  	[tilespmem:s17], [sflag:$0x1] =	stream.indirect_vreg.gather [hbm4b:s1+s3], $0x80, v6, vm0, $0xb8;
	[tilespmem:$0x8520] =	vst v63  }
0x22: {  	v5 =	vadd.s32 v3, v5  }
0x23: {  	[tilespmem:s18], [sflag:$0x1] =	stream.indirect_vreg.gather [hbm4b:s8+s3], $0x80, v6, vm0, $0xb8;
	[tilespmem:$0x8520] =	vst v63  }
0x24: {  	_ = 	snop  }
0x25: {  	[tilespmem:s19], [sflag:$0x1] =	stream.indirect_vreg.gather [hbm4b:s9+s3], $0x80, v6, vm0, $0xb8;
	[tilespmem:$0x8520] =	vst v63  }
0x26: {  	_ = 	snop  }
0x27: {  	[tilespmem:s20], [sflag:$0x1] =	stream.indirect_vreg.gather [hbm4b:s1+s3], $0x80, v5, vm0, $0xb8;
	[tilespmem:$0x8520] =	vst v63  }
0x28: {  	_ = 	snop  }
0x29: {  	[tilespmem:s21], [sflag:$0x1] =	stream.indirect_vreg.gather [hbm4b:s8+s3], $0x80, v5, vm0, $0xb8;
	[tilespmem:$0x8520] =	vst v63  }
0x2a: {  	_ = 	snop  }
0x2b: {  	[tilespmem:s22], [sflag:$0x1] =	stream.indirect_vreg.gather [hbm4b:s9+s3], $0x80, v5, vm0, $0xb8;
	[tilespmem:$0x8520] =	vst v63  }
0x2c: {  	v5 =	vld [tilespmem:$0x2490];
	_ =	sdelay $0x4  }
0x2d: {  	v6 =	vshrl.u32 v5, $0x3  }
0x2e: {  	v6 =	vmul.u32 $0x30, v6  }
0x2f: {  	v5 =	vand.u32 $0x7, v5  }
0x30: {  	v5 =	vor.u32 v5, v6  }
0x31: {  	v6 =	vperm.xlane v5, v2;
	_ =	sdelay $0x1  }
0x32: {  	v6 =	vadd.s32 v3, v6;
	_ =	sdelay $0x3  }
0x33: {  	v5 =	vperm.xlane v5, v4  }
0x34: {  	[tilespmem:s23], [sflag:$0x1] =	stream.indirect_vreg.gather [hbm4b:s1+s3], $0x80, v6, vm0, $0xb8;
	[tilespmem:$0x8520] =	vst v63  }
0x35: {  	v5 =	vadd.s32 v3, v5  }
0x36: {  	[tilespmem:s24], [sflag:$0x1] =	stream.indirect_vreg.gather [hbm4b:s8+s3], $0x80, v6, vm0, $0xb8;
	[tilespmem:$0x8520] =	vst v63  }
0x37: {  	_ = 	snop  }
0x38: {  	[tilespmem:s25], [sflag:$0x1] =	stream.indirect_vreg.gather [hbm4b:s9+s3], $0x80, v6, vm0, $0xb8;
	[tilespmem:$0x8520] =	vst v63  }
0x39: {  	_ = 	snop  }
0x3a: {  	[tilespmem:s26], [sflag:$0x1] =	stream.indirect_vreg.gather [hbm4b:s1+s3], $0x80, v5, vm0, $0xb8;
	[tilespmem:$0x8520] =	vst v63  }
0x3b: {  	_ = 	snop  }
0x3c: {  	[tilespmem:s28], [sflag:$0x1] =	stream.indirect_vreg.gather [hbm4b:s8+s3], $0x80, v5, vm0, $0xb8;
	[tilespmem:$0x8520] =	vst v63  }
0x3d: {  	_ = 	snop  }
0x3e: {  	[tilespmem:s29], [sflag:$0x1] =	stream.indirect_vreg.gather [hbm4b:s9+s3], $0x80, v5, vm0, $0xb8;
	[tilespmem:$0x8520] =	vst v63  }
0x3f: {  	s31 =	sadd.s32 $0x1, s31;
	_ =	swait.ge [sflag:s30], $0x6000  }
0x40: {  	p1 =	sne.s32 s31, s11;
	[sflag:s30] =	ssyncset.done $0x0  }
.Ltmp1:
0x41: {  	[sflag:s30] =	ssyncadd.s32 $0xFFFFA000;
	(pc) =	sbr.rel @!p1 .LBB2_16-.Ltmp1, $4  }
0x42: {  	[hbm4b:s10+s3] =	stream.linear.scatter [tilespmem:s17], [sflag:$0x2], $0x6000, $0x38;
	[tilespmem:$0x8520] =	vst v63  }
0x43: {  	_ =	swait.ge [sflag:s14], $0x6000  }
0x44: {  	[sflag:s14] =	ssyncset.done $0x0  }
0x45: {  	[sflag:s14] =	ssyncadd.s32 $0xFFFFA000  }
.LBB2_1:
.Ltmp2:
0x46: {  	(pc) =	sbr.rel @p0 .LBB2_15-.Ltmp2, $1  }
0x47: {  	_ =	sdelay $0x3  }
0x48: {  	s0 =	simm.s32 $0x0  }
0x49: {  	s2 =	rddreg [dreg:$0x5];
	s4 =	simm.s32 $0x80;
	s6 =	simm.s32 $0x400  }
0x4a: {  	[tilespmem:s0], [sflag:$0x2] =	stream.strided.gather [hbm4b:s2+s4], $0x1000, s6, s4, $0x38;
	[tilespmem:$0x8520] =	vst v63  }
0x4b: {  	_ =	swait.ge [sflag:s14], $0x1000  }
0x4c: {  	[sflag:s14] =	ssyncset.done $0x0  }
0x4d: {  	[sflag:s14] =	ssyncadd.s32 $0xFFFFF000  }
0x4e: {  	v5 =	vld [tilespmem:$0x0];
	_ =	sdelay $0x3  }
0x4f: {  	vm1 =	veq.s32 v0, $0x0  }
0x50: {  	v5 =	vsel vm1, $0xBF800000, v5  }
0x51: {  	v6 =	vimm.f32 $1.000000000e+00;
	[tilespmem:$0x0] =	vst v5;
	v5 =	vimm.f32 $0.0e+00  }
.LBB2_3:
0x52: {  	s2 =	simm.s32 $0x0  }
0x53: {  	v8 =	vld [tilespmem:s2+$0x30]  }
0x54: {  	v10 =	vld [tilespmem:s2+$0x0]  }
0x55: {  	v7 =	vadd.f32 v6, v5;
	v11 =	vld [tilespmem:s2+$0x10]  }
0x56: {  	v12 =	vld [tilespmem:s2+$0x20]  }
0x57: {  	v7 =	vmul.f32 $5.000000000e-01, v7  }
0x58: {  	s12 =	simm.s32 $0x40  }
0x59: {  	v9 =	vld [tilespmem:s12+$0x30];
	vm1 =	vge.f32 v8, v7  }
0x5a: {  	v13 =	vld [tilespmem:s12+$0x0];
	vm2 =	vge.f32 v10, v7;
	v8 =	vmpcnt.ones.xlane vm1;
	vm1 =	vge.f32 v11, v7  }
0x5b: {  	v14 =	vld [tilespmem:s12+$0x10];
	v11 =	vmpcnt.ones.xlane vm2;
	v17 =	vmpcnt.ones.xlane vm1;
	vm1 =	vge.f32 v12, v7  }
0x5c: {  	v15 =	vld [tilespmem:s12+$0x20];
	v10 =	vimm.s32 $0x0;
	v16 =	vmpcnt.ones.xlane vm1  }
0x5d: {  	s2 =	simm.s32 $0x200;
	v8 =	vadd.s32 v10, v8;
	v11 =	vadd.s32 v10, v11;
	v12 =	vadd.s32 v10, v17  }
.LBB2_4:
0x5e: {  	s12 =	sshra.s32 s2, $0x2;
	p1 =	sne.s32 s2, $0x3F00;
	s2 =	sadd.s32 $0x100, s2;
	vm1 =	vge.f32 v9, v7;
	v10 =	vadd.s32 v10, v16  }
.Ltmp3:
0x5f: {  	v9 =	vld [tilespmem:s12+$0x30];
	vm2 =	vge.f32 v13, v7;
	v16 =	vmpcnt.ones.xlane vm1;
	(pc) =	sbr.rel @p1 .LBB2_4-.Ltmp3, $4  }
0x60: {  	v13 =	vld [tilespmem:s12+$0x0];
	v17 =	vmpcnt.ones.xlane vm2;
	vm1 =	vge.f32 v14, v7  }
0x61: {  	v14 =	vld [tilespmem:s12+$0x10];
	v18 =	vmpcnt.ones.xlane vm1;
	vm1 =	vge.f32 v15, v7;
	v8 =	vadd.s32 v8, v16  }
0x62: {  	v15 =	vld [tilespmem:s12+$0x20];
	v11 =	vadd.s32 v11, v17;
	v16 =	vmpcnt.ones.xlane vm1  }
0x63: {  	v12 =	vadd.s32 v12, v18  }
0x64: {  	_ =	sdelay $0x1  }
0x65: {  	vm1 =	vge.f32 v13, v7;
	vm2 =	vge.f32 v14, v7  }
0x66: {  	v13 =	vmpcnt.ones.xlane vm1;
	v14 =	vmpcnt.ones.xlane vm2;
	vm1 =	vge.f32 v15, v7  }
0x67: {  	v60 =	vadd.s32 v10, v16;
	s0 =	sadd.s32 $0x1, s0;
	vm2 =	vge.f32 v9, v7;
	v61 =	vmpcnt.ones.xlane vm1  }
0x68: {  	p1 =	sne.s32 s0, $0x1C;
	v62 =	vmpcnt.ones.xlane vm2;
	v11 =	vadd.s32 v11, v13;
	v12 =	vadd.s32 v12, v14  }
.Ltmp4:
0x69: {  	v9 =	vadd.s32 v60, v61;
	v63 =	vadd.s32 v11, v12;
	(pc) =	sbr.rel @p1 .LBB2_3-.Ltmp4, $4  }
0x6a: {  	v8 =	vadd.s32 v8, v62;
	v9 =	vadd.s32 v9, v63  }
0x6b: {  	v8 =	vadd.s32 v8, v9  }
0x6c: {  	vm1 =	vgt.s32 v8, $0x198  }
0x6d: {  	v5 =	vsel vm1, v7, v5;
	v6 =	vsel vm1, v6, v7  }
0x6e: {  	s2 =	simm.s32 $0x0  }
0x6f: {  	v7 =	vld [tilespmem:s2+$0x0]  }
0x70: {  	v6 =	vimm.f32 $2.000000000e+00;
	s0 =	simm.s32 $0x40  }
.LBB2_7:
0x71: {  	p1 =	sne.s32 s0, $0x3FC0  }
.Ltmp5:
0x72: {  	_ = 	snop;
	(pc) =	sbr.rel @p1 .LBB2_7-.Ltmp5, $4  }
0x73: {  	_ = 	snop  }
0x74: {  	s2 =	sshra.s32 s0, $0x2;
	s0 =	sadd.s32 $0x40, s0;
	vm1 =	vge.f32 v7, v5  }
0x75: {  	v8 =	vnsel vm1, $0x40000000, v7;
	v7 =	vld [tilespmem:s2+$0x0]  }
0x76: {  	v6 =	vmin.f32 v6, v8  }
0x77: {  	_ =	sdelay $0x2  }
0x78: {  	vm1 =	vge.f32 v7, v5  }
0x79: {  	v5 =	vnsel vm1, $0x40000000, v7  }
0x7a: {  	v5 =	vmin.f32 v6, v5  }
0x7b: {  	(xrf1) =	vsort.ascd.msk.f32 $0xffff, v5, v5;
	_ =	sdelay $0xa  }
0x7c: {  	s0 =	simm.s32 $0x0  }
0x7d: {  	v6 =	vld [tilespmem:s0+$0x0];
	_ =	sdelay $0x1  }
0x7e: {  	v5, _, _ =	vpop (xrf1)  }
0x7f: {  	v5 =	vbroadcast v5, $0x0;
	_ =	sdelay $0x1  }
0x80: {  	vm1 =	vgt.f32 v6, v5  }
0x81: {  	vm2 =	veq.f32 v6, v5;
	v6 =	vmpcnt.ones.xlane vm1  }
0x82: {  	v8 =	vmpcnt.ones.xlane vm2  }
0x83: {  	(v2sf) =	vpush v6, $0x0  }
0x84: {  	(v2sf) =	vpush v8, $0x0;
	_ =	sdelay $0x2  }
0x85: {  	s2 =	sor.u32 s5, s0  }
0x86: {  	v7 =	vor.u32 s2, v0  }
0x87: {  	[tilespmem:s0+$0x1000] =	vst.msk vm1, v7  }
0x88: {  	s13 =	simm.s32 $0x10;
	[tilespmem:s0+$0x1200] =	vst.msk vm2, v7  }
0x89: {  	s12 =	simm.s32 $0x0;
	s15 =	simm.s32 $0x10;
	s2 =	simm.s32 $0x20;
	v6 =	vld [tilespmem:s13+$0x0]  }
.LBB2_9:
0x8a: {  	p1 =	sne.s32 s2, $0xFF0;
	_ =	sdelay $0x3  }
0x8b: {  	vm1 =	vgt.f32 v6, v5;
	vm2 =	veq.f32 v6, v5  }
0x8c: {  	v6 =	vmpcnt.ones.xlane vm1;
	v7 =	vmpcnt.ones.xlane vm2  }
0x8d: {  	s4 =	sor.u32 s5, s13;
	s13 =	smov.u32 s2;
	s6 =	spop (v2sf)  }
0x8e: {  	v8 =	vor.u32 s4, v0;
	(v2sf) =	vpush v6, $0x0;
	s0 =	sadd.s32 s0, s6;
	s4 =	spop (v2sf)  }
0x8f: {  	[tilespmem:s0+$0x1000] =	vst.msk vm1, v8;
	(v2sf) =	vpush v7, $0x0;
	s12 =	sadd.s32 s12, s4  }
0x90: {  	[tilespmem:s12+$0x1200] =	vst.msk vm2, v8;
	_ =	sdelay $0x1  }
.Ltmp6:
0x91: {  	(pc) =	sbr.rel @p1 .LBB2_9-.Ltmp6, $3  }
0x92: {  	_ =	sdelay $0x1  }
0x93: {  	s15 =	sadd.s32 $0x10, s15  }
0x94: {  	s2 =	sadd.s32 $0x10, s2;
	v6 =	vld [tilespmem:s15+$0x0]  }
0x95: {  	_ =	sdelay $0x5  }
0x96: {  	s2 =	sor.u32 s5, s13;
	s4 =	spop (v2sf)  }
0x97: {  	v7 =	vor.u32 s2, v0;
	vm1 =	vgt.f32 v6, v5;
	s0 =	sadd.s32 s0, s4;
	s13 =	spop (v2sf)  }
0x98: {  	vm2 =	veq.f32 v6, v5;
	[tilespmem:s0+$0x1000] =	vst.msk vm1, v7;
	s2 =	sadd.s32 s12, s13  }
0x99: {  	[tilespmem:s2+$0x1200] =	vst.msk vm2, v7  }
0x9a: {  	[tilespmem:$0x2280] =	vst v1  }
0x9b: {  	[tilespmem:$0x2290] =	vst v1  }
0x9c: {  	[tilespmem:$0x22A0] =	vst v1  }
0x9d: {  	[tilespmem:$0x22B0] =	vst v1  }
0x9e: {  	[tilespmem:$0x22C0] =	vst v1  }
0x9f: {  	[tilespmem:$0x22D0] =	vst v1  }
0xa0: {  	[tilespmem:$0x22E0] =	vst v1  }
0xa1: {  	[tilespmem:$0x22F0] =	vst v1  }
0xa2: {  	[tilespmem:$0x2300] =	vst v1  }
0xa3: {  	[tilespmem:$0x2310] =	vst v1  }
0xa4: {  	[tilespmem:$0x2320] =	vst v1  }
0xa5: {  	[tilespmem:$0x2330] =	vst v1  }
0xa6: {  	[tilespmem:$0x2340] =	vst v1  }
0xa7: {  	[tilespmem:$0x2350] =	vst v1  }
0xa8: {  	v5 =	vmpcnt.ones.xlane vm1;
	[tilespmem:$0x2360] =	vst v1  }
0xa9: {  	[tilespmem:$0x2370] =	vst v1  }
0xaa: {  	(v2sf) =	vpush v5, $0x0;
	[tilespmem:$0x2380] =	vst v1  }
0xab: {  	[tilespmem:$0x2390] =	vst v1  }
0xac: {  	v5 =	vmpcnt.ones.xlane vm2;
	[tilespmem:$0x23A0] =	vst v1  }
0xad: {  	[tilespmem:$0x23B0] =	vst v1  }
0xae: {  	(v2sf) =	vpush v5, $0x0;
	[tilespmem:$0x23C0] =	vst v1  }
0xaf: {  	[tilespmem:$0x23D0] =	vst v1  }
0xb0: {  	[tilespmem:$0x23E0] =	vst v1  }
0xb1: {  	[tilespmem:$0x23F0] =	vst v1  }
0xb2: {  	[tilespmem:$0x2400] =	vst v1  }
0xb3: {  	[tilespmem:$0x2410] =	vst v1  }
0xb4: {  	[tilespmem:$0x2420] =	vst v1  }
0xb5: {  	[tilespmem:$0x2430] =	vst v1  }
0xb6: {  	[tilespmem:$0x2440] =	vst v1  }
0xb7: {  	[tilespmem:$0x2450] =	vst v1  }
0xb8: {  	[tilespmem:$0x2460] =	vst v1  }
0xb9: {  	s13 =	simm.s32 $0x0;
	[tilespmem:$0x2470] =	vst v1;
	s2 =	spop (v2sf)  }
0xba: {  	v5 =	vld [tilespmem:s13+$0x1000];
	s12 =	sadd.s32 s0, s2  }
0xbb: {  	p1 =	slt.s32 s12, $0x199  }
0xbc: {  	s12 =	simm.s32 @!p1 $0x199  }
0xbd: {  	s15 =	spop (v2sf);
	v6 =	vmov s12  }
0xbe: {  	s15 =	simm.s32 $0x40;
	vm1 =	vgt.s32 v6, v0  }
.LBB2_11:
0xbf: {  	p1 =	seq.s32 s15, $0x640;
	[tilespmem:s13+$0x2281] =	vst.msk vm1, v5;
	s13 =	sshra.s32 s15, $0x2;
	s15 =	sadd.s32 $0x40, s15  }
.Ltmp7:
0xc0: {  	v5 =	vld [tilespmem:s13+$0x1000];
	(pc) =	sbr.rel @!p1 .LBB2_11-.Ltmp7, $4  }
0xc1: {  	_ = 	snop  }
0xc2: {  	s12 =	sadd.s32 $0xFFFFFFF0, s12  }
0xc3: {  	v6 =	vmov s12  }
0xc4: {  	vm1 =	vgt.s32 v6, v0  }
0xc5: {  	[tilespmem:s13+$0x2281] =	vst.msk vm1, v5;
	s4 =	simm.s32 $0x0  }
0xc6: {  	v5 =	vld [tilespmem:s4+$0x1200]  }
0xc7: {  	s2 =	sadd.s32 s0, s2  }
0xc8: {  	s0 =	ssub.s32 $0x199, s2;
	s2 =	sadd.s32 $0x1, s2  }
0xc9: {  	v6 =	vmov s0;
	p1 =	slt.s32 s2, $0x1F0;
	s13 =	smov.u32 s2  }
0xca: {  	s12 =	simm.s32 $0x40;
	vm1 =	vgt.s32 v6, v0;
	s13 =	simm.s32 @!p1 $0x1F0  }
.LBB2_13:
0xcb: {  	s4 =	sshra.s32 s12, $0x2;
	p1 =	sne.s32 s12, $0x640;
	s12 =	sadd.s32 $0x40, s12;
	[tilespmem:s13+$0x2280] =	vst.msk vm1, v5  }
.Ltmp8:
0xcc: {  	v5 =	vld [tilespmem:s4+$0x1200];
	(pc) =	sbr.rel @p1 .LBB2_13-.Ltmp8, $4  }
0xcd: {  	_ = 	snop  }
0xce: {  	s0 =	sadd.s32 $0xFFFFFFF0, s0;
	s2 =	sadd.s32 $0x10, s2  }
0xcf: {  	v6 =	vmov s0;
	p2 =	slt.s32 s2, $0x1F0;
	s13 =	smov.u32 s2  }
0xd0: {  	vm1 =	vgt.s32 v6, v0;
	s13 =	simm.s32 @!p2 $0x1F0  }
0xd1: {  	[tilespmem:s13+$0x2280] =	vst.msk vm1, v5;
	s0 =	rddreg [dreg:$0x3];
	s2 =	simm.s32 $0x2280  }
0xd2: {  	[spmem:s0] =	stream.linear.scatter [tilespmem:s2], [sflag:$0x2], $0x200, $0x38;
	[tilespmem:$0x8520] =	vst v63  }
0xd3: {  	_ =	swait.ge [sflag:s14], $0x200  }
0xd4: {  	[sflag:s14] =	ssyncset.done $0x0  }
.Ltmp9:
0xd5: {  	s15 =	rddreg [dreg:$0x6];
	[sflag:s14] =	ssyncadd.s32 $0xFFFFFE00;
	(pc) =	sbr.rel .LBB2_15-.Ltmp9, $4  }
0xd6: {  	[hbm4b:s15+s3] =	stream.linear.scatter [tilespmem:s2], [sflag:$0x2], $0x200, $0x38;
	[tilespmem:$0x8520] =	vst v63  }
0xd7: {  	_ =	swait.ge [sflag:s14], $0x200  }
0xd8: {  	[sflag:s14] =	ssyncset.done $0x0  }
0xd9: {  	[sflag:s14] =	ssyncadd.s32 $0xFFFFFE00  }
.LBB2_16:
0xda: {  	_ =	sfence.sel $0x180000  }
0xdb: {  	[bflag:$0x0] =	sbarrier.arrive $0xFFFF  }
0xdc: {  	_ =	strace $0x90000047  }
0xdd: {  	[bflag:$0x2] =	sbarrier.arrive $0xFFFF  }
0xde: {  	s0 =	rddreg [dreg:$0x4]  }
0xdf: {  	s0 =	sadd.s32 @!p0 $0x100000, s0  }
0xe0: {  	[sflag:s0] =	ssyncadd.tile.s32 @!p0 $0x1;
	_ =	shalt  }
.Lfunc_end2:
_tile_overlayer_lowered:
.L_overlay_start_2:
0xe1: {  	(tag) =	ssettag $0x2  }
0xe2: {  	s0 =	rddreg [dreg:$0x0];
	s2 =	stileid.u32  }
0xe3: {  	s1 =	rddreg [dreg:$0x1];
	p0 =	sne.s32 s2, $0x0  }
0xe4: {  	s3 =	rddreg [dreg:$0x2];
	[bflag:$0x3] =	sbarrier.arrive $0xFFFF;
	s2 =	simm.s32 @!p0 $0x1C02  }
0xe5: {  	[timem:s3], [sflag:s2] =	dma.local @!p0 [hbm:s0], s1  }
0xe6: {  	s0 =	simm.s32 @!p0 $0x2  }
0xe7: {  	_ =	swait.ge @!p0 [sflag:s0], s1  }
0xe8: {  	s1 =	ssub.s32 @!p0 $0x0, s1;
	[sflag:s0] =	ssyncset.done @!p0 $0x0  }
0xe9: {  	[sflag:s0] =	ssyncadd.s32 @!p0 s1  }
0xea: {  	[bflag:$0x3] =	sbarrier.arrive $0xFFFF  }
0xeb: {  	_ =	shalt  }

</sc_bundles>
